<compile_context>
chip_gen: v7x
topology: tpu7x:2x2x1
jax: 0.10.2.dev20260603
libtpu: 0.0.44.dev20260713+nightly
codegen_flags: <defaults>
</compile_context>

<pallas_src>
import dataclasses
import functools

import jax
import jax.numpy as jnp
from jax import lax
from jax.experimental import pallas as pl
from jax.experimental.pallas import tpu as pltpu
from jax.experimental.pallas import tpu_sc as plsc

NSEG = 10000
NNODE = 320000
DIM = 128

NCORE = 2
NSUB = 16
RPB = 128
NBLK = NNODE // RPB
NSEGP = 10240
HSEG = NSEGP // 2
HTAB = HSEG + 8
RPT = HSEG // NSUB

_mesh = plsc.VectorSubcoreMesh(core_axis_name="c", subcore_axis_name="s")

_sc_params = pltpu.CompilerParams()
if "needs_layout_passes" in pltpu.CompilerParams.__dataclass_fields__:
    _sc_params = dataclasses.replace(_sc_params, needs_layout_passes=False)


def _f32(shape):
    return jax.ShapeDtypeStruct(shape, jnp.float32)


NQ = 4
NBLKE = NNODE // (NQ * RPB)


@functools.partial(
    pl.kernel,
    out_type=_f32((NCORE, NBLKE, NQ, RPB, DIM)),
    mesh=_mesh,
    scratch_types=[
        pltpu.VMEM((NQ * RPB, DIM), jnp.float32),
        pltpu.VMEM((NQ, RPB), jnp.int32),
        pltpu.SemaphoreType.DMA,
    ],
)
def _sc_expand(v_stack, idx_stack, e_out, rbuf, ibuf, sem):
    c = lax.axis_index("c")
    s = lax.axis_index("s")

    @pl.loop(s, NBLKE, step=NSUB)
    def _(b):
        pltpu.sync_copy(idx_stack.at[c].at[b], ibuf)
        gs = [pltpu.async_copy(v_stack.at[c].at[ibuf.at[q]],
                               rbuf.at[pl.ds(q * RPB, RPB)], sem)
              for q in range(NQ)]
        for g in gs:
            g.wait()
        ws = [pltpu.async_copy(rbuf.at[pl.ds(q * RPB, RPB)],
                               e_out.at[c].at[b].at[q], sem)
              for q in range(NQ)]
        for w in ws:
            w.wait()


RB = 1000
NRB = NNODE // RB
WSEG = 128


def _one_hot_win(idxv, wbase):
    rows = wbase + lax.broadcasted_iota(jnp.int32, (WSEG, RB), 0)
    return (rows == idxv[None, :]).astype(jnp.float32)


def _tc_segcnt_body(x_ref, i_ref, tab_ref, cnt_ref):
    @pl.when(pl.program_id(0) == 0)
    def _():
        tab_ref[...] = jnp.zeros_like(tab_ref)
        cnt_ref[...] = jnp.zeros_like(cnt_ref)

    idxv = i_ref[0, 0, :]
    base = (jnp.min(idxv) // 8) * 8
    nwin = (jnp.max(idxv) - base) // WSEG + 1

    def wb(k, carry):
        wbase = base + k * WSEG
        oh = _one_hot_win(idxv, wbase)
        tab_ref[pl.ds(wbase, WSEG), :] += jnp.dot(
            oh, x_ref[...], preferred_element_type=jnp.float32)
        cnt_ref[pl.ds(wbase, WSEG), :] += jnp.broadcast_to(
            jnp.sum(oh, axis=1, keepdims=True), (WSEG, 16))
        return carry

    lax.fori_loop(0, nwin, wb, 0)


def _tc_segcnt(x, idx3):
    return pl.pallas_call(
        _tc_segcnt_body,
        grid=(NRB,),
        in_specs=[
            pl.BlockSpec((RB, DIM), lambda i: (i, 0)),
            pl.BlockSpec((1, 1, RB), lambda i: (i, 0, 0)),
        ],
        out_specs=[
            pl.BlockSpec((NSEGP, DIM), lambda i: (0, 0)),
            pl.BlockSpec((NSEGP, 16), lambda i: (0, 0)),
        ],
        out_shape=[_f32((NSEGP, DIM)), _f32((NSEGP, 16))],
    )(x, idx3)


def _tc_segpay_body(x_ref, p_ref, i_ref, tab_ref, pay_ref):
    @pl.when(pl.program_id(0) == 0)
    def _():
        tab_ref[...] = jnp.zeros_like(tab_ref)
        pay_ref[...] = jnp.zeros_like(pay_ref)

    idxv = i_ref[0, 0, :]
    base = (jnp.min(idxv) // 8) * 8
    nwin = (jnp.max(idxv) - base) // WSEG + 1

    def wb(k, carry):
        wbase = base + k * WSEG
        oh = _one_hot_win(idxv, wbase)
        tab_ref[pl.ds(wbase, WSEG), :] += jnp.dot(
            oh, x_ref[...], preferred_element_type=jnp.float32)
        pay_ref[pl.ds(wbase, WSEG), :] += jnp.dot(
            oh, p_ref[...], preferred_element_type=jnp.float32)
        return carry

    lax.fori_loop(0, nwin, wb, 0)


def _tc_segpay(x, p, idx3):
    return pl.pallas_call(
        _tc_segpay_body,
        grid=(NRB,),
        in_specs=[
            pl.BlockSpec((RB, DIM), lambda i: (i, 0)),
            pl.BlockSpec((RB, 16), lambda i: (i, 0)),
            pl.BlockSpec((1, 1, RB), lambda i: (i, 0, 0)),
        ],
        out_specs=[
            pl.BlockSpec((NSEGP, DIM), lambda i: (0, 0)),
            pl.BlockSpec((NSEGP, 16), lambda i: (0, 0)),
        ],
        out_shape=[_f32((NSEGP, DIM)), _f32((NSEGP, 16))],
    )(x, p, idx3)


def _tc_vtab_body(s_ref, c_ref, w1g_ref, b1_ref, v_ref):
    cnt = jnp.maximum(c_ref[:, 0:1], 1.0)
    mean = s_ref[...] / cnt
    v = jnp.dot(mean, w1g_ref[...],
                preferred_element_type=jnp.float32) + b1_ref[...]
    v_ref[...] = jnp.concatenate([v, jnp.zeros_like(v)], axis=1)


def _tc_vtab(s_tab, c_tab, w1g, b1r):
    blk = 1024
    return pl.pallas_call(
        _tc_vtab_body,
        grid=(NSEGP // blk,),
        in_specs=[
            pl.BlockSpec((blk, DIM), lambda i: (i, 0)),
            pl.BlockSpec((blk, 16), lambda i: (i, 0)),
            pl.BlockSpec((DIM, 64), lambda i: (0, 0)),
            pl.BlockSpec((1, 64), lambda i: (0, 0)),
        ],
        out_specs=pl.BlockSpec((blk, DIM), lambda i: (i, 0)),
        out_shape=_f32((NSEGP, DIM)),
    )(s_tab, c_tab, w1g, b1r)


def _tc_score_body(h_ref, e_in_ref, w1h_ref, w2_ref, b2_ref, e_ref, eh_ref):
    u = jnp.dot(h_ref[...], w1h_ref[...],
                preferred_element_type=jnp.float32) + e_in_ref[:, :64]
    u = jnp.where(u > 0, u, 0.2 * u)
    s = jnp.sum(u * w2_ref[...], axis=1, keepdims=True) + b2_ref[...]
    e = jnp.exp(s)
    e_ref[...] = jnp.concatenate(
        [e, jnp.zeros((e.shape[0], 15), jnp.float32)], axis=1)
    eh_ref[...] = h_ref[...] * e


def _tc_score(h, e_in, w1h, w2r, b2r):
    blk = 4000
    return pl.pallas_call(
        _tc_score_body,
        grid=(NNODE // blk,),
        in_specs=[
            pl.BlockSpec((blk, DIM), lambda i: (i, 0)),
            pl.BlockSpec((blk, DIM), lambda i: (i, 0)),
            pl.BlockSpec((DIM, 64), lambda i: (0, 0)),
            pl.BlockSpec((1, 64), lambda i: (0, 0)),
            pl.BlockSpec((1, 1), lambda i: (0, 0)),
        ],
        out_specs=[
            pl.BlockSpec((blk, 16), lambda i: (i, 0)),
            pl.BlockSpec((blk, DIM), lambda i: (i, 0)),
        ],
        out_shape=[_f32((NNODE, 16)), _f32((NNODE, DIM))],
    )(h, e_in, w1h, w2r, b2r)


def _tc_fuse_body(wsa_ref, za_ref, wsb_ref, zb_ref, f1_ref, fb1_ref, f2_ref,
                  fb2_ref, hi_ref, ha_ref, hb_ref):
    za = za_ref[:, 0:1]
    zb = zb_ref[:, 0:1]
    ha = wsa_ref[...] / (za + 1e-16)
    hb = wsb_ref[...] / (zb + 1e-16)
    ha_ref[...] = ha
    hb_ref[...] = hb
    cat = jnp.concatenate([ha, hb, ha * hb, jnp.abs(ha - hb)], axis=1)
    hid = jnp.maximum(jnp.dot(cat, f1_ref[...],
                              preferred_element_type=jnp.float32)
                      + fb1_ref[...], 0.0)
    hi_ref[...] = jnp.dot(hid, f2_ref[...],
                          preferred_element_type=jnp.float32) + fb2_ref[...]


def _tc_fuse(ws_a, z_a, ws_b, z_b, f1, fb1r, f2, fb2r):
    blk = 1000
    return pl.pallas_call(
        _tc_fuse_body,
        grid=(NSEG // blk,),
        in_specs=[
            pl.BlockSpec((blk, DIM), lambda i: (i, 0)),
            pl.BlockSpec((blk, 16), lambda i: (i, 0)),
            pl.BlockSpec((blk, DIM), lambda i: (i, 0)),
            pl.BlockSpec((blk, 16), lambda i: (i, 0)),
            pl.BlockSpec((4 * DIM, 2 * DIM), lambda i: (0, 0)),
            pl.BlockSpec((1, 2 * DIM), lambda i: (0, 0)),
            pl.BlockSpec((2 * DIM, DIM), lambda i: (0, 0)),
            pl.BlockSpec((1, DIM), lambda i: (0, 0)),
        ],
        out_specs=[
            pl.BlockSpec((blk, DIM), lambda i: (i, 0)),
            pl.BlockSpec((blk, DIM), lambda i: (i, 0)),
            pl.BlockSpec((blk, DIM), lambda i: (i, 0)),
        ],
        out_shape=[_f32((NSEG, DIM)), _f32((NSEG, DIM)), _f32((NSEG, DIM))],
    )(ws_a, z_a, ws_b, z_b, f1, fb1r, f2, fb2r)


def kernel(h_A, herb_idx_A, h_B, herb_idx_B, W1, b1, W2, b2, F1, fb1, F2, fb2):
    idx_a3 = herb_idx_A.reshape(NBLK, 1, RPB)
    idx_b3 = herb_idx_B.reshape(NBLK, 1, RPB)
    idx_ar = herb_idx_A.reshape(NRB, 1, RB)
    idx_br = herb_idx_B.reshape(NRB, 1, RB)

    s_a, c_a = _tc_segcnt(h_A, idx_ar)
    s_b, c_b = _tc_segcnt(h_B, idx_br)

    w1h = W1[:DIM]
    w1g = W1[DIM:]
    b1r = b1.reshape(1, 64)
    v_a = _tc_vtab(s_a, c_a, w1g, b1r)
    v_b = _tc_vtab(s_b, c_b, w1g, b1r)

    v_stack = jnp.stack([v_b, v_a])
    idx_stack = jnp.stack([herb_idx_A.reshape(NBLKE, NQ, RPB),
                           herb_idx_B.reshape(NBLKE, NQ, RPB)])
    e_exp = _sc_expand(v_stack, idx_stack)
    e_in_a = e_exp[0].reshape(NNODE, DIM)
    e_in_b = e_exp[1].reshape(NNODE, DIM)

    w2r = W2.reshape(1, 64)
    b2r = b2.reshape(1, 1)
    e_a, eh_a = _tc_score(h_A, e_in_a, w1h, w2r, b2r)
    e_b, eh_b = _tc_score(h_B, e_in_b, w1h, w2r, b2r)

    ws_a, z_a = _tc_segpay(eh_a, e_a, idx_ar)
    ws_b, z_b = _tc_segpay(eh_b, e_b, idx_br)

    h_int, h_agb, h_bga = _tc_fuse(ws_a, z_a, ws_b, z_b, F1,
                                   fb1.reshape(1, 2 * DIM), F2,
                                   fb2.reshape(1, DIM))
    return (h_int, h_agb, h_bga)

# --- scband reference (transcript-rebuilt; emitter-appended) ---
"""Pipeline reference for scband-herb-multi-instance-encoder-54245436948916 (READ-ONLY COPY).

The authoritative reference and input builder live on the scoring server;
editing this copy changes nothing except your own understanding.
"""

import jax, jax.numpy as jnp
import numpy as np

NUM_SEG = 10000
N = 320000
D = 128


def setup_inputs(seed: int = 0) -> dict:
    key = jax.random.key(seed)
    ks = jax.random.split(key, 10)
    s = 0.05
    h_A = jax.random.normal(ks[0], (N, D), dtype=jnp.float32)
    h_B = jax.random.normal(ks[1], (N, D), dtype=jnp.float32)
    herb_idx_A = jnp.sort(jax.random.randint(ks[2], (N,), 0, NUM_SEG, dtype=jnp.int32))
    herb_idx_B = jnp.sort(jax.random.randint(ks[3], (N,), 0, NUM_SEG, dtype=jnp.int32))
    # attn_net: Linear(2D -> D//2), LeakyReLU(0.2), Linear(D//2 -> 1)
    W1 = jax.random.normal(ks[4], (2 * D, D // 2), dtype=jnp.float32) * s
    b1 = jnp.zeros((D // 2,), dtype=jnp.float32)
    W2 = jax.random.normal(ks[5], (D // 2, 1), dtype=jnp.float32) * s
    b2 = jnp.zeros((1,), dtype=jnp.float32)
    # fusion_mlp: Linear(4D -> 2D), ReLU, Linear(2D -> D)
    F1 = jax.random.normal(ks[6], (4 * D, 2 * D), dtype=jnp.float32) * s
    fb1 = jnp.zeros((2 * D,), dtype=jnp.float32)
    F2 = jax.random.normal(ks[7], (2 * D, D), dtype=jnp.float32) * s
    fb2 = jnp.zeros((D,), dtype=jnp.float32)
    return {"h_A": h_A, "herb_idx_A": herb_idx_A, "h_B": h_B, "herb_idx_B": herb_idx_B,
            "W1": W1, "b1": b1, "W2": W2, "b2": b2,
            "F1": F1, "fb1": fb1, "F2": F2, "fb2": fb2}


def _segment_mean(h, idx):
    sums = jax.ops.segment_sum(h, idx, num_segments=NUM_SEG)
    ones = jnp.ones((h.shape[0], 1), dtype=h.dtype)
    cnt = jax.ops.segment_sum(ones, idx, num_segments=NUM_SEG)
    return sums / jnp.maximum(cnt, 1.0)


def _attn_net(x, W1, b1, W2, b2):
    h = x @ W1 + b1
    h = jnp.where(h > 0, h, 0.2 * h)  # LeakyReLU(0.2)
    return h @ W2 + b2


def _segment_softmax(scores, idx):
    # scores: [N, 1]; softmax within each segment
    m = jax.ops.segment_max(scores, idx, num_segments=NUM_SEG)
    e = jnp.exp(scores - m[idx])
    z = jax.ops.segment_sum(e, idx, num_segments=NUM_SEG)
    return e / (z[idx] + 1e-16)


def reference(h_A, herb_idx_A, h_B, herb_idx_B, W1, b1, W2, b2, F1, fb1, F2, fb2):
    # gnn_model is treated as identity: h = gnn(batched) -> node features
    H_B_mean = _segment_mean(h_B, herb_idx_B)
    H_A_mean = _segment_mean(h_A, herb_idx_A)

    expanded_H_B = H_B_mean[herb_idx_A]
    cat_A = jnp.concatenate([h_A, expanded_H_B], axis=-1)
    alpha_A = _segment_softmax(_attn_net(cat_A, W1, b1, W2, b2), herb_idx_A)
    H_A_given_B = jax.ops.segment_sum(alpha_A * h_A, herb_idx_A, num_segments=NUM_SEG)

    expanded_H_A = H_A_mean[herb_idx_B]
    cat_B = jnp.concatenate([h_B, expanded_H_A], axis=-1)
    alpha_B = _segment_softmax(_attn_net(cat_B, W1, b1, W2, b2), herb_idx_B)
    H_B_given_A = jax.ops.segment_sum(alpha_B * h_B, herb_idx_B, num_segments=NUM_SEG)

    concat_feat = jnp.concatenate([H_A_given_B, H_B_given_A,
                                   H_A_given_B * H_B_given_A,
                                   jnp.abs(H_A_given_B - H_B_given_A)], axis=-1)
    hidden = jnp.maximum(concat_feat @ F1 + fb1, 0.0)
    H_interaction = hidden @ F2 + fb2
    return (H_interaction, H_A_given_B, H_B_given_A)

if __name__ == "__main__":
    import jax
    _d = setup_inputs()
    print(jax.jit(kernel)(*tuple(_d.values())))

</pallas_src>

<mosaic_0001>
#map = affine_map<(d0, d1) -> (0, 0, 0)>
#map1 = affine_map<(d0, d1) -> (0, 0, 0, 0)>
#map2 = affine_map<(d0, d1) -> (0, 0, 0, 0, 0)>
module attributes {stable_mosaic.version = 14 : i64} {
  func.func @_sc_expand(%arg0: i32, %arg1: i32, %arg2: memref<2x10240x128xf32, #tpu.memory_space<hbm>>, %arg3: memref<2x625x4x128xi32, #tpu.memory_space<hbm>>, %arg4: memref<2x625x4x128x128xf32, #tpu.memory_space<hbm>>, %arg5: memref<512x128xf32, #tpu.memory_space<vmem>>, %arg6: memref<4x128xi32, #tpu.memory_space<vmem>>, %arg7: memref<!tpu.dma_semaphore, #tpu.memory_space<semaphore_mem>>) attributes {dimension_semantics = [#tpu.dimension_semantics<core_parallel>, #tpu.dimension_semantics<subcore_parallel>], iteration_bounds = array<i64: 2, 16>, scalar_prefetch = 0 : i64, scratch_operands = 3 : i64, tpu.core_type = #tpu.core_type<sc_vector_subcore>, window_params = [{transform_indices = #map}, {transform_indices = #map1}, {transform_indices = #map2}]} {
    %sub3A = arith.constant 625 : i32
    %sub3A_0 = arith.subi %sub3A, %arg1 : i32
    %sub3A_1 = arith.constant 16 : i32
    %sub3A_2 = arith.constant 1 : i32
    %sub3A_3 = arith.subi %sub3A_1, %sub3A_2 : i32
    %add3A = arith.addi %sub3A_0, %sub3A_3 : i32
    %div3A = arith.constant 16 : i32
    %div3A_4 = arith.divsi %add3A, %div3A : i32
    %while3A = arith.constant 16 : i32
    %while3A_5 = arith.constant 0 : i32
    %while3A_6 = arith.subi %div3A_4, %while3A_5 : i32
    %while3A_7 = arith.addi %while3A_5, %while3A_6 : i32
    %while3A_8 = arith.constant 1 : i32
    %while3A_9 = arith.divsi %while3A_6, %while3A_8 : i32
    %while3A_10 = arith.muli %while3A_9, %while3A_8 : i32
    %while3A_11 = arith.addi %while3A_5, %while3A_10 : i32
    %while3A_12 = arith.constant 1 : i32
    scf.for %while3A_14 = %while3A_5 to %while3A_11 step %while3A_12  : i32 {
      %mul3A = arith.muli %while3A_14, %while3A : i32
      %add3A_15 = arith.addi %arg1, %mul3A : i32
      "tpu.region"() ({
        %run_scoped3A = tpu.sem_alloc : memref<!tpu.dma_semaphore, #tpu.memory_space<semaphore_mem>>
        %dma_start3A_422 = arith.constant 0 : i32
        %dma_start3A_423 = arith.constant 0 : i32
        %dma_start3A_424 = arith.constant 0 : i32
        %dma_start3A_425 = tpu.memref_slice %arg3[%arg0, %dma_start3A_422, %dma_start3A_423, %dma_start3A_424] : memref<2x625x4x128xi32, #tpu.memory_space<hbm>> -> memref<1x625x4x128xi32, #tpu.memory_space<hbm>>
        %dma_start3A_426 = tpu.memref_squeeze %dma_start3A_425 : memref<1x625x4x128xi32, #tpu.memory_space<hbm>> -> memref<625x4x128xi32, #tpu.memory_space<hbm>>
        %dma_start3A_427 = arith.constant 0 : i32
        %dma_start3A_428 = arith.constant 0 : i32
        %dma_start3A_429 = tpu.memref_slice %dma_start3A_426[%add3A_15, %dma_start3A_427, %dma_start3A_428] : memref<625x4x128xi32, #tpu.memory_space<hbm>> -> memref<1x4x128xi32, #tpu.memory_space<hbm>>
        %dma_start3A_430 = tpu.memref_squeeze %dma_start3A_429 : memref<1x4x128xi32, #tpu.memory_space<hbm>> -> memref<4x128xi32, #tpu.memory_space<hbm>>
        %dma_start3A_431 = arith.constant 0 : i32
        %dma_start3A_432 = arith.constant 0 : i32
        %dma_start3A_433 = arith.constant 0 : i32
        %dma_start3A_434 = tpu.memref_slice %arg3[%arg0, %dma_start3A_431, %dma_start3A_432, %dma_start3A_433] : memref<2x625x4x128xi32, #tpu.memory_space<hbm>> -> memref<1x625x4x128xi32, #tpu.memory_space<hbm>>
        %dma_start3A_435 = tpu.memref_squeeze %dma_start3A_434 : memref<1x625x4x128xi32, #tpu.memory_space<hbm>> -> memref<625x4x128xi32, #tpu.memory_space<hbm>>
        %dma_start3A_436 = arith.constant 0 : i32
        %dma_start3A_437 = arith.constant 0 : i32
        %dma_start3A_438 = tpu.memref_slice %dma_start3A_435[%add3A_15, %dma_start3A_436, %dma_start3A_437] : memref<625x4x128xi32, #tpu.memory_space<hbm>> -> memref<1x4x128xi32, #tpu.memory_space<hbm>>
        %dma_start3A_439 = tpu.memref_squeeze %dma_start3A_438 : memref<1x4x128xi32, #tpu.memory_space<hbm>> -> memref<4x128xi32, #tpu.memory_space<hbm>>
        tpu.enqueue_dma source(%dma_start3A_439 : memref<4x128xi32, #tpu.memory_space<hbm>>) target(%arg6 : memref<4x128xi32, #tpu.memory_space<vmem>>) target_semaphore(%run_scoped3A : memref<!tpu.dma_semaphore, #tpu.memory_space<semaphore_mem>>)
        %dma_wait3A_440 = arith.constant 0 : i32
        %dma_wait3A_441 = arith.constant 0 : i32
        %dma_wait3A_442 = arith.constant 0 : i32
        %dma_wait3A_443 = tpu.memref_slice %arg3[%arg0, %dma_wait3A_440, %dma_wait3A_441, %dma_wait3A_442] : memref<2x625x4x128xi32, #tpu.memory_space<hbm>> -> memref<1x625x4x128xi32, #tpu.memory_space<hbm>>
        %dma_wait3A_444 = tpu.memref_squeeze %dma_wait3A_443 : memref<1x625x4x128xi32, #tpu.memory_space<hbm>> -> memref<625x4x128xi32, #tpu.memory_space<hbm>>
        %dma_wait3A_445 = arith.constant 0 : i32
        %dma_wait3A_446 = arith.constant 0 : i32
        %dma_wait3A_447 = tpu.memref_slice %dma_wait3A_444[%add3A_15, %dma_wait3A_445, %dma_wait3A_446] : memref<625x4x128xi32, #tpu.memory_space<hbm>> -> memref<1x4x128xi32, #tpu.memory_space<hbm>>
        %dma_wait3A_448 = tpu.memref_squeeze %dma_wait3A_447 : memref<1x4x128xi32, #tpu.memory_space<hbm>> -> memref<4x128xi32, #tpu.memory_space<hbm>>
        %dma_wait3A_449 = arith.constant 0 : i32
        %dma_wait3A_450 = arith.constant 0 : i32
        %dma_wait3A_451 = arith.constant 0 : i32
        %dma_wait3A_452 = tpu.memref_slice %arg3[%arg0, %dma_wait3A_449, %dma_wait3A_450, %dma_wait3A_451] : memref<2x625x4x128xi32, #tpu.memory_space<hbm>> -> memref<1x625x4x128xi32, #tpu.memory_space<hbm>>
        %dma_wait3A_453 = tpu.memref_squeeze %dma_wait3A_452 : memref<1x625x4x128xi32, #tpu.memory_space<hbm>> -> memref<625x4x128xi32, #tpu.memory_space<hbm>>
        %dma_wait3A_454 = arith.constant 0 : i32
        %dma_wait3A_455 = arith.constant 0 : i32
        %dma_wait3A_456 = tpu.memref_slice %dma_wait3A_453[%add3A_15, %dma_wait3A_454, %dma_wait3A_455] : memref<625x4x128xi32, #tpu.memory_space<hbm>> -> memref<1x4x128xi32, #tpu.memory_space<hbm>>
        %dma_wait3A_457 = tpu.memref_squeeze %dma_wait3A_456 : memref<1x4x128xi32, #tpu.memory_space<hbm>> -> memref<4x128xi32, #tpu.memory_space<hbm>>
        tpu.wait_dma2 semaphore(%run_scoped3A : memref<!tpu.dma_semaphore, #tpu.memory_space<semaphore_mem>>) src(%dma_wait3A_457 : memref<4x128xi32, #tpu.memory_space<hbm>>) dst(%arg6 : memref<4x128xi32, #tpu.memory_space<vmem>>)
        tpu.yield
      }) : () -> ()
      %dma_start3A = arith.constant 0 : i32
      %dma_start3A_16 = arith.constant 0 : i32
      %dma_start3A_17 = arith.constant 0 : i32
      %dma_start3A_18 = tpu.memref_slice %arg5[%dma_start3A_16, %dma_start3A_17] : memref<512x128xf32, #tpu.memory_space<vmem>> -> memref<128x128xf32, #tpu.memory_space<vmem>>
      %dma_start3A_19 = arith.constant 0 : i32
      %dma_start3A_20 = tpu.memref_slice %arg6[%dma_start3A, %dma_start3A_19] : memref<4x128xi32, #tpu.memory_space<vmem>> -> memref<1x128xi32, #tpu.memory_space<vmem>>
      %dma_start3A_21 = tpu.memref_squeeze %dma_start3A_20 : memref<1x128xi32, #tpu.memory_space<vmem>> -> memref<128xi32, #tpu.memory_space<vmem>>
      %dma_start3A_22 = arith.constant 0 : i32
      %dma_start3A_23 = arith.constant 0 : i32
      %dma_start3A_24 = tpu.memref_slice %arg2[%arg0, %dma_start3A_22, %dma_start3A_23] : memref<2x10240x128xf32, #tpu.memory_space<hbm>> -> memref<1x10240x128xf32, #tpu.memory_space<hbm>>
      %dma_start3A_25 = tpu.memref_squeeze %dma_start3A_24 : memref<1x10240x128xf32, #tpu.memory_space<hbm>> -> memref<10240x128xf32, #tpu.memory_space<hbm>>
      %dma_start3A_26 = arith.constant 0 : i32
      %dma_start3A_27 = arith.constant 0 : i32
      %dma_start3A_28 = tpu.memref_slice %dma_start3A_25[%dma_start3A_26, %dma_start3A_27] : memref<10240x128xf32, #tpu.memory_space<hbm>> -> memref<10240x128xf32, #tpu.memory_space<hbm>>
      tpu.enqueue_indirect_dma source(%dma_start3A_28 : memref<10240x128xf32, #tpu.memory_space<hbm>>) target(%dma_start3A_18 : memref<128x128xf32, #tpu.memory_space<vmem>>) offsets(%dma_start3A_21 : memref<128xi32, #tpu.memory_space<vmem>>) semaphore(%arg7 : memref<!tpu.dma_semaphore, #tpu.memory_space<semaphore_mem>>)
      %dma_start3A_29 = arith.constant 1 : i32
      %dma_start3A_30 = arith.constant 128 : i32
      %dma_start3A_31 = arith.constant 0 : i32
      %dma_start3A_32 = tpu.memref_slice %arg5[%dma_start3A_30, %dma_start3A_31] : memref<512x128xf32, #tpu.memory_space<vmem>> -> memref<128x128xf32, #tpu.memory_space<vmem>>
      %dma_start3A_33 = arith.constant 0 : i32
      %dma_start3A_34 = tpu.memref_slice %arg6[%dma_start3A_29, %dma_start3A_33] : memref<4x128xi32, #tpu.memory_space<vmem>> -> memref<1x128xi32, #tpu.memory_space<vmem>>
      %dma_start3A_35 = tpu.memref_squeeze %dma_start3A_34 : memref<1x128xi32, #tpu.memory_space<vmem>> -> memref<128xi32, #tpu.memory_space<vmem>>
      %dma_start3A_36 = arith.constant 0 : i32
      %dma_start3A_37 = arith.constant 0 : i32
      %dma_start3A_38 = tpu.memref_slice %arg2[%arg0, %dma_start3A_36, %dma_start3A_37] : memref<2x10240x128xf32, #tpu.memory_space<hbm>> -> memref<1x10240x128xf32, #tpu.memory_space<hbm>>
      %dma_start3A_39 = tpu.memref_squeeze %dma_start3A_38 : memref<1x10240x128xf32, #tpu.memory_space<hbm>> -> memref<10240x128xf32, #tpu.memory_space<hbm>>
      %dma_start3A_40 = arith.constant 0 : i32
      %dma_start3A_41 = arith.constant 0 : i32
      %dma_start3A_42 = tpu.memref_slice %dma_start3A_39[%dma_start3A_40, %dma_start3A_41] : memref<10240x128xf32, #tpu.memory_space<hbm>> -> memref<10240x128xf32, #tpu.memory_space<hbm>>
      tpu.enqueue_indirect_dma source(%dma_start3A_42 : memref<10240x128xf32, #tpu.memory_space<hbm>>) target(%dma_start3A_32 : memref<128x128xf32, #tpu.memory_space<vmem>>) offsets(%dma_start3A_35 : memref<128xi32, #tpu.memory_space<vmem>>) semaphore(%arg7 : memref<!tpu.dma_semaphore, #tpu.memory_space<semaphore_mem>>)
      %dma_start3A_43 = arith.constant 2 : i32
      %dma_start3A_44 = arith.constant 256 : i32
      %dma_start3A_45 = arith.constant 0 : i32
      %dma_start3A_46 = tpu.memref_slice %arg5[%dma_start3A_44, %dma_start3A_45] : memref<512x128xf32, #tpu.memory_space<vmem>> -> memref<128x128xf32, #tpu.memory_space<vmem>>
      %dma_start3A_47 = arith.constant 0 : i32
      %dma_start3A_48 = tpu.memref_slice %arg6[%dma_start3A_43, %dma_start3A_47] : memref<4x128xi32, #tpu.memory_space<vmem>> -> memref<1x128xi32, #tpu.memory_space<vmem>>
      %dma_start3A_49 = tpu.memref_squeeze %dma_start3A_48 : memref<1x128xi32, #tpu.memory_space<vmem>> -> memref<128xi32, #tpu.memory_space<vmem>>
      %dma_start3A_50 = arith.constant 0 : i32
      %dma_start3A_51 = arith.constant 0 : i32
      %dma_start3A_52 = tpu.memref_slice %arg2[%arg0, %dma_start3A_50, %dma_start3A_51] : memref<2x10240x128xf32, #tpu.memory_space<hbm>> -> memref<1x10240x128xf32, #tpu.memory_space<hbm>>
      %dma_start3A_53 = tpu.memref_squeeze %dma_start3A_52 : memref<1x10240x128xf32, #tpu.memory_space<hbm>> -> memref<10240x128xf32, #tpu.memory_space<hbm>>
      %dma_start3A_54 = arith.constant 0 : i32
      %dma_start3A_55 = arith.constant 0 : i32
      %dma_start3A_56 = tpu.memref_slice %dma_start3A_53[%dma_start3A_54, %dma_start3A_55] : memref<10240x128xf32, #tpu.memory_space<hbm>> -> memref<10240x128xf32, #tpu.memory_space<hbm>>
      tpu.enqueue_indirect_dma source(%dma_start3A_56 : memref<10240x128xf32, #tpu.memory_space<hbm>>) target(%dma_start3A_46 : memref<128x128xf32, #tpu.memory_space<vmem>>) offsets(%dma_start3A_49 : memref<128xi32, #tpu.memory_space<vmem>>) semaphore(%arg7 : memref<!tpu.dma_semaphore, #tpu.memory_space<semaphore_mem>>)
      %dma_start3A_57 = arith.constant 3 : i32
      %dma_start3A_58 = arith.constant 384 : i32
      %dma_start3A_59 = arith.constant 0 : i32
      %dma_start3A_60 = tpu.memref_slice %arg5[%dma_start3A_58, %dma_start3A_59] : memref<512x128xf32, #tpu.memory_space<vmem>> -> memref<128x128xf32, #tpu.memory_space<vmem>>
      %dma_start3A_61 = arith.constant 0 : i32
      %dma_start3A_62 = tpu.memref_slice %arg6[%dma_start3A_57, %dma_start3A_61] : memref<4x128xi32, #tpu.memory_space<vmem>> -> memref<1x128xi32, #tpu.memory_space<vmem>>
      %dma_start3A_63 = tpu.memref_squeeze %dma_start3A_62 : memref<1x128xi32, #tpu.memory_space<vmem>> -> memref<128xi32, #tpu.memory_space<vmem>>
      %dma_start3A_64 = arith.constant 0 : i32
      %dma_start3A_65 = arith.constant 0 : i32
      %dma_start3A_66 = tpu.memref_slice %arg2[%arg0, %dma_start3A_64, %dma_start3A_65] : memref<2x10240x128xf32, #tpu.memory_space<hbm>> -> memref<1x10240x128xf32, #tpu.memory_space<hbm>>
      %dma_start3A_67 = tpu.memref_squeeze %dma_start3A_66 : memref<1x10240x128xf32, #tpu.memory_space<hbm>> -> memref<10240x128xf32, #tpu.memory_space<hbm>>
      %dma_start3A_68 = arith.constant 0 : i32
      %dma_start3A_69 = arith.constant 0 : i32
      %dma_start3A_70 = tpu.memref_slice %dma_start3A_67[%dma_start3A_68, %dma_start3A_69] : memref<10240x128xf32, #tpu.memory_space<hbm>> -> memref<10240x128xf32, #tpu.memory_space<hbm>>
      tpu.enqueue_indirect_dma source(%dma_start3A_70 : memref<10240x128xf32, #tpu.memory_space<hbm>>) target(%dma_start3A_60 : memref<128x128xf32, #tpu.memory_space<vmem>>) offsets(%dma_start3A_63 : memref<128xi32, #tpu.memory_space<vmem>>) semaphore(%arg7 : memref<!tpu.dma_semaphore, #tpu.memory_space<semaphore_mem>>)
      %dma_wait3A = arith.constant 0 : i32
      %dma_wait3A_71 = arith.constant 0 : i32
      %dma_wait3A_72 = arith.constant 0 : i32
      %dma_wait3A_73 = tpu.memref_slice %arg5[%dma_wait3A_71, %dma_wait3A_72] : memref<512x128xf32, #tpu.memory_space<vmem>> -> memref<128x128xf32, #tpu.memory_space<vmem>>
      %dma_wait3A_74 = arith.constant 0 : i32
      %dma_wait3A_75 = tpu.memref_slice %arg6[%dma_wait3A, %dma_wait3A_74] : memref<4x128xi32, #tpu.memory_space<vmem>> -> memref<1x128xi32, #tpu.memory_space<vmem>>
      %dma_wait3A_76 = tpu.memref_squeeze %dma_wait3A_75 : memref<1x128xi32, #tpu.memory_space<vmem>> -> memref<128xi32, #tpu.memory_space<vmem>>
      %dma_wait3A_77 = arith.constant 0 : i32
      %dma_wait3A_78 = arith.constant 0 : i32
      %dma_wait3A_79 = tpu.memref_slice %arg2[%arg0, %dma_wait3A_77, %dma_wait3A_78] : memref<2x10240x128xf32, #tpu.memory_space<hbm>> -> memref<1x10240x128xf32, #tpu.memory_space<hbm>>
      %dma_wait3A_80 = tpu.memref_squeeze %dma_wait3A_79 : memref<1x10240x128xf32, #tpu.memory_space<hbm>> -> memref<10240x128xf32, #tpu.memory_space<hbm>>
      %dma_wait3A_81 = arith.constant 0 : i32
      %dma_wait3A_82 = arith.constant 0 : i32
      %dma_wait3A_83 = tpu.memref_slice %dma_wait3A_80[%dma_wait3A_81, %dma_wait3A_82] : memref<10240x128xf32, #tpu.memory_space<hbm>> -> memref<10240x128xf32, #tpu.memory_space<hbm>>
      tpu.wait_indirect_dma semaphore(%arg7 : memref<!tpu.dma_semaphore, #tpu.memory_space<semaphore_mem>>) src(%dma_wait3A_83 : memref<10240x128xf32, #tpu.memory_space<hbm>>) dst(%dma_wait3A_73 : memref<128x128xf32, #tpu.memory_space<vmem>>)
      %dma_wait3A_84 = arith.constant 1 : i32
      %dma_wait3A_85 = arith.constant 128 : i32
      %dma_wait3A_86 = arith.constant 0 : i32
      %dma_wait3A_87 = tpu.memref_slice %arg5[%dma_wait3A_85, %dma_wait3A_86] : memref<512x128xf32, #tpu.memory_space<vmem>> -> memref<128x128xf32, #tpu.memory_space<vmem>>
      %dma_wait3A_88 = arith.constant 0 : i32
      %dma_wait3A_89 = tpu.memref_slice %arg6[%dma_wait3A_84, %dma_wait3A_88] : memref<4x128xi32, #tpu.memory_space<vmem>> -> memref<1x128xi32, #tpu.memory_space<vmem>>
      %dma_wait3A_90 = tpu.memref_squeeze %dma_wait3A_89 : memref<1x128xi32, #tpu.memory_space<vmem>> -> memref<128xi32, #tpu.memory_space<vmem>>
      %dma_wait3A_91 = arith.constant 0 : i32
      %dma_wait3A_92 = arith.constant 0 : i32
      %dma_wait3A_93 = tpu.memref_slice %arg2[%arg0, %dma_wait3A_91, %dma_wait3A_92] : memref<2x10240x128xf32, #tpu.memory_space<hbm>> -> memref<1x10240x128xf32, #tpu.memory_space<hbm>>
      %dma_wait3A_94 = tpu.memref_squeeze %dma_wait3A_93 : memref<1x10240x128xf32, #tpu.memory_space<hbm>> -> memref<10240x128xf32, #tpu.memory_space<hbm>>
      %dma_wait3A_95 = arith.constant 0 : i32
      %dma_wait3A_96 = arith.constant 0 : i32
      %dma_wait3A_97 = tpu.memref_slice %dma_wait3A_94[%dma_wait3A_95, %dma_wait3A_96] : memref<10240x128xf32, #tpu.memory_space<hbm>> -> memref<10240x128xf32, #tpu.memory_space<hbm>>
      tpu.wait_indirect_dma semaphore(%arg7 : memref<!tpu.dma_semaphore, #tpu.memory_space<semaphore_mem>>) src(%dma_wait3A_97 : memref<10240x128xf32, #tpu.memory_space<hbm>>) dst(%dma_wait3A_87 : memref<128x128xf32, #tpu.memory_space<vmem>>)
      %dma_wait3A_98 = arith.constant 2 : i32
      %dma_wait3A_99 = arith.constant 256 : i32
      %dma_wait3A_100 = arith.constant 0 : i32
      %dma_wait3A_101 = tpu.memref_slice %arg5[%dma_wait3A_99, %dma_wait3A_100] : memref<512x128xf32, #tpu.memory_space<vmem>> -> memref<128x128xf32, #tpu.memory_space<vmem>>
      %dma_wait3A_102 = arith.constant 0 : i32
      %dma_wait3A_103 = tpu.memref_slice %arg6[%dma_wait3A_98, %dma_wait3A_102] : memref<4x128xi32, #tpu.memory_space<vmem>> -> memref<1x128xi32, #tpu.memory_space<vmem>>
      %dma_wait3A_104 = tpu.memref_squeeze %dma_wait3A_103 : memref<1x128xi32, #tpu.memory_space<vmem>> -> memref<128xi32, #tpu.memory_space<vmem>>
      %dma_wait3A_105 = arith.constant 0 : i32
      %dma_wait3A_106 = arith.constant 0 : i32
      %dma_wait3A_107 = tpu.memref_slice %arg2[%arg0, %dma_wait3A_105, %dma_wait3A_106] : memref<2x10240x128xf32, #tpu.memory_space<hbm>> -> memref<1x10240x128xf32, #tpu.memory_space<hbm>>
      %dma_wait3A_108 = tpu.memref_squeeze %dma_wait3A_107 : memref<1x10240x128xf32, #tpu.memory_space<hbm>> -> memref<10240x128xf32, #tpu.memory_space<hbm>>
      %dma_wait3A_109 = arith.constant 0 : i32
      %dma_wait3A_110 = arith.constant 0 : i32
      %dma_wait3A_111 = tpu.memref_slice %dma_wait3A_108[%dma_wait3A_109, %dma_wait3A_110] : memref<10240x128xf32, #tpu.memory_space<hbm>> -> memref<10240x128xf32, #tpu.memory_space<hbm>>
      tpu.wait_indirect_dma semaphore(%arg7 : memref<!tpu.dma_semaphore, #tpu.memory_space<semaphore_mem>>) src(%dma_wait3A_111 : memref<10240x128xf32, #tpu.memory_space<hbm>>) dst(%dma_wait3A_101 : memref<128x128xf32, #tpu.memory_space<vmem>>)
      %dma_wait3A_112 = arith.constant 3 : i32
      %dma_wait3A_113 = arith.constant 384 : i32
      %dma_wait3A_114 = arith.constant 0 : i32
      %dma_wait3A_115 = tpu.memref_slice %arg5[%dma_wait3A_113, %dma_wait3A_114] : memref<512x128xf32, #tpu.memory_space<vmem>> -> memref<128x128xf32, #tpu.memory_space<vmem>>
      %dma_wait3A_116 = arith.constant 0 : i32
      %dma_wait3A_117 = tpu.memref_slice %arg6[%dma_wait3A_112, %dma_wait3A_116] : memref<4x128xi32, #tpu.memory_space<vmem>> -> memref<1x128xi32, #tpu.memory_space<vmem>>
      %dma_wait3A_118 = tpu.memref_squeeze %dma_wait3A_117 : memref<1x128xi32, #tpu.memory_space<vmem>> -> memref<128xi32, #tpu.memory_space<vmem>>
      %dma_wait3A_119 = arith.constant 0 : i32
      %dma_wait3A_120 = arith.constant 0 : i32
      %dma_wait3A_121 = tpu.memref_slice %arg2[%arg0, %dma_wait3A_119, %dma_wait3A_120] : memref<2x10240x128xf32, #tpu.memory_space<hbm>> -> memref<1x10240x128xf32, #tpu.memory_space<hbm>>
      %dma_wait3A_122 = tpu.memref_squeeze %dma_wait3A_121 : memref<1x10240x128xf32, #tpu.memory_space<hbm>> -> memref<10240x128xf32, #tpu.memory_space<hbm>>
      %dma_wait3A_123 = arith.constant 0 : i32
      %dma_wait3A_124 = arith.constant 0 : i32
      %dma_wait3A_125 = tpu.memref_slice %dma_wait3A_122[%dma_wait3A_123, %dma_wait3A_124] : memref<10240x128xf32, #tpu.memory_space<hbm>> -> memref<10240x128xf32, #tpu.memory_space<hbm>>
      tpu.wait_indirect_dma semaphore(%arg7 : memref<!tpu.dma_semaphore, #tpu.memory_space<semaphore_mem>>) src(%dma_wait3A_125 : memref<10240x128xf32, #tpu.memory_space<hbm>>) dst(%dma_wait3A_115 : memref<128x128xf32, #tpu.memory_space<vmem>>)
      %dma_start3A_126 = arith.constant 0 : i32
      %dma_start3A_127 = arith.constant 0 : i32
      %dma_start3A_128 = arith.constant 0 : i32
      %dma_start3A_129 = tpu.memref_slice %arg5[%dma_start3A_127, %dma_start3A_128] : memref<512x128xf32, #tpu.memory_space<vmem>> -> memref<128x128xf32, #tpu.memory_space<vmem>>
      %dma_start3A_130 = arith.constant 0 : i32
      %dma_start3A_131 = arith.constant 0 : i32
      %dma_start3A_132 = arith.constant 0 : i32
      %dma_start3A_133 = arith.constant 0 : i32
      %dma_start3A_134 = tpu.memref_slice %arg4[%arg0, %dma_start3A_130, %dma_start3A_131, %dma_start3A_132, %dma_start3A_133] : memref<2x625x4x128x128xf32, #tpu.memory_space<hbm>> -> memref<1x625x4x128x128xf32, #tpu.memory_space<hbm>>
      %dma_start3A_135 = tpu.memref_squeeze %dma_start3A_134 : memref<1x625x4x128x128xf32, #tpu.memory_space<hbm>> -> memref<625x4x128x128xf32, #tpu.memory_space<hbm>>
      %dma_start3A_136 = arith.constant 0 : i32
      %dma_start3A_137 = arith.constant 0 : i32
      %dma_start3A_138 = arith.constant 0 : i32
      %dma_start3A_139 = tpu.memref_slice %dma_start3A_135[%add3A_15, %dma_start3A_136, %dma_start3A_137, %dma_start3A_138] : memref<625x4x128x128xf32, #tpu.memory_space<hbm>> -> memref<1x4x128x128xf32, #tpu.memory_space<hbm>>
      %dma_start3A_140 = tpu.memref_squeeze %dma_start3A_139 : memref<1x4x128x128xf32, #tpu.memory_space<hbm>> -> memref<4x128x128xf32, #tpu.memory_space<hbm>>
      %dma_start3A_141 = arith.constant 0 : i32
      %dma_start3A_142 = arith.constant 0 : i32
      %dma_start3A_143 = tpu.memref_slice %dma_start3A_140[%dma_start3A_126, %dma_start3A_141, %dma_start3A_142] : memref<4x128x128xf32, #tpu.memory_space<hbm>> -> memref<1x128x128xf32, #tpu.memory_space<hbm>>
      %dma_start3A_144 = tpu.memref_squeeze %dma_start3A_143 : memref<1x128x128xf32, #tpu.memory_space<hbm>> -> memref<128x128xf32, #tpu.memory_space<hbm>>
      %dma_start3A_145 = arith.constant 0 : i32
      %dma_start3A_146 = arith.constant 0 : i32
      %dma_start3A_147 = arith.constant 0 : i32
      %dma_start3A_148 = arith.constant 0 : i32
      %dma_start3A_149 = tpu.memref_slice %arg4[%arg0, %dma_start3A_145, %dma_start3A_146, %dma_start3A_147, %dma_start3A_148] : memref<2x625x4x128x128xf32, #tpu.memory_space<hbm>> -> memref<1x625x4x128x128xf32, #tpu.memory_space<hbm>>
      %dma_start3A_150 = tpu.memref_squeeze %dma_start3A_149 : memref<1x625x4x128x128xf32, #tpu.memory_space<hbm>> -> memref<625x4x128x128xf32, #tpu.memory_space<hbm>>
      %dma_start3A_151 = arith.constant 0 : i32
      %dma_start3A_152 = arith.constant 0 : i32
      %dma_start3A_153 = arith.constant 0 : i32
      %dma_start3A_154 = tpu.memref_slice %dma_start3A_150[%add3A_15, %dma_start3A_151, %dma_start3A_152, %dma_start3A_153] : memref<625x4x128x128xf32, #tpu.memory_space<hbm>> -> memref<1x4x128x128xf32, #tpu.memory_space<hbm>>
      %dma_start3A_155 = tpu.memref_squeeze %dma_start3A_154 : memref<1x4x128x128xf32, #tpu.memory_space<hbm>> -> memref<4x128x128xf32, #tpu.memory_space<hbm>>
      %dma_start3A_156 = arith.constant 0 : i32
      %dma_start3A_157 = arith.constant 0 : i32
      %dma_start3A_158 = tpu.memref_slice %dma_start3A_155[%dma_start3A_126, %dma_start3A_156, %dma_start3A_157] : memref<4x128x128xf32, #tpu.memory_space<hbm>> -> memref<1x128x128xf32, #tpu.memory_space<hbm>>
      %dma_start3A_159 = tpu.memref_squeeze %dma_start3A_158 : memref<1x128x128xf32, #tpu.memory_space<hbm>> -> memref<128x128xf32, #tpu.memory_space<hbm>>
      %dma_start3A_160 = arith.constant 0 : i32
      %dma_start3A_161 = arith.constant 0 : i32
      %dma_start3A_162 = tpu.memref_slice %arg5[%dma_start3A_160, %dma_start3A_161] : memref<512x128xf32, #tpu.memory_space<vmem>> -> memref<128x128xf32, #tpu.memory_space<vmem>>
      tpu.enqueue_dma source(%dma_start3A_162 : memref<128x128xf32, #tpu.memory_space<vmem>>) target(%dma_start3A_159 : memref<128x128xf32, #tpu.memory_space<hbm>>) target_semaphore(%arg7 : memref<!tpu.dma_semaphore, #tpu.memory_space<semaphore_mem>>)
      %dma_start3A_163 = arith.constant 1 : i32
      %dma_start3A_164 = arith.constant 128 : i32
      %dma_start3A_165 = arith.constant 0 : i32
      %dma_start3A_166 = tpu.memref_slice %arg5[%dma_start3A_164, %dma_start3A_165] : memref<512x128xf32, #tpu.memory_space<vmem>> -> memref<128x128xf32, #tpu.memory_space<vmem>>
      %dma_start3A_167 = arith.constant 0 : i32
      %dma_start3A_168 = arith.constant 0 : i32
      %dma_start3A_169 = arith.constant 0 : i32
      %dma_start3A_170 = arith.constant 0 : i32
      %dma_start3A_171 = tpu.memref_slice %arg4[%arg0, %dma_start3A_167, %dma_start3A_168, %dma_start3A_169, %dma_start3A_170] : memref<2x625x4x128x128xf32, #tpu.memory_space<hbm>> -> memref<1x625x4x128x128xf32, #tpu.memory_space<hbm>>
      %dma_start3A_172 = tpu.memref_squeeze %dma_start3A_171 : memref<1x625x4x128x128xf32, #tpu.memory_space<hbm>> -> memref<625x4x128x128xf32, #tpu.memory_space<hbm>>
      %dma_start3A_173 = arith.constant 0 : i32
      %dma_start3A_174 = arith.constant 0 : i32
      %dma_start3A_175 = arith.constant 0 : i32
      %dma_start3A_176 = tpu.memref_slice %dma_start3A_172[%add3A_15, %dma_start3A_173, %dma_start3A_174, %dma_start3A_175] : memref<625x4x128x128xf32, #tpu.memory_space<hbm>> -> memref<1x4x128x128xf32, #tpu.memory_space<hbm>>
      %dma_start3A_177 = tpu.memref_squeeze %dma_start3A_176 : memref<1x4x128x128xf32, #tpu.memory_space<hbm>> -> memref<4x128x128xf32, #tpu.memory_space<hbm>>
      %dma_start3A_178 = arith.constant 0 : i32
      %dma_start3A_179 = arith.constant 0 : i32
      %dma_start3A_180 = tpu.memref_slice %dma_start3A_177[%dma_start3A_163, %dma_start3A_178, %dma_start3A_179] : memref<4x128x128xf32, #tpu.memory_space<hbm>> -> memref<1x128x128xf32, #tpu.memory_space<hbm>>
      %dma_start3A_181 = tpu.memref_squeeze %dma_start3A_180 : memref<1x128x128xf32, #tpu.memory_space<hbm>> -> memref<128x128xf32, #tpu.memory_space<hbm>>
      %dma_start3A_182 = arith.constant 0 : i32
      %dma_start3A_183 = arith.constant 0 : i32
      %dma_start3A_184 = arith.constant 0 : i32
      %dma_start3A_185 = arith.constant 0 : i32
      %dma_start3A_186 = tpu.memref_slice %arg4[%arg0, %dma_start3A_182, %dma_start3A_183, %dma_start3A_184, %dma_start3A_185] : memref<2x625x4x128x128xf32, #tpu.memory_space<hbm>> -> memref<1x625x4x128x128xf32, #tpu.memory_space<hbm>>
      %dma_start3A_187 = tpu.memref_squeeze %dma_start3A_186 : memref<1x625x4x128x128xf32, #tpu.memory_space<hbm>> -> memref<625x4x128x128xf32, #tpu.memory_space<hbm>>
      %dma_start3A_188 = arith.constant 0 : i32
      %dma_start3A_189 = arith.constant 0 : i32
      %dma_start3A_190 = arith.constant 0 : i32
      %dma_start3A_191 = tpu.memref_slice %dma_start3A_187[%add3A_15, %dma_start3A_188, %dma_start3A_189, %dma_start3A_190] : memref<625x4x128x128xf32, #tpu.memory_space<hbm>> -> memref<1x4x128x128xf32, #tpu.memory_space<hbm>>
      %dma_start3A_192 = tpu.memref_squeeze %dma_start3A_191 : memref<1x4x128x128xf32, #tpu.memory_space<hbm>> -> memref<4x128x128xf32, #tpu.memory_space<hbm>>
      %dma_start3A_193 = arith.constant 0 : i32
      %dma_start3A_194 = arith.constant 0 : i32
      %dma_start3A_195 = tpu.memref_slice %dma_start3A_192[%dma_start3A_163, %dma_start3A_193, %dma_start3A_194] : memref<4x128x128xf32, #tpu.memory_space<hbm>> -> memref<1x128x128xf32, #tpu.memory_space<hbm>>
      %dma_start3A_196 = tpu.memref_squeeze %dma_start3A_195 : memref<1x128x128xf32, #tpu.memory_space<hbm>> -> memref<128x128xf32, #tpu.memory_space<hbm>>
      %dma_start3A_197 = arith.constant 128 : i32
      %dma_start3A_198 = arith.constant 0 : i32
      %dma_start3A_199 = tpu.memref_slice %arg5[%dma_start3A_197, %dma_start3A_198] : memref<512x128xf32, #tpu.memory_space<vmem>> -> memref<128x128xf32, #tpu.memory_space<vmem>>
      tpu.enqueue_dma source(%dma_start3A_199 : memref<128x128xf32, #tpu.memory_space<vmem>>) target(%dma_start3A_196 : memref<128x128xf32, #tpu.memory_space<hbm>>) target_semaphore(%arg7 : memref<!tpu.dma_semaphore, #tpu.memory_space<semaphore_mem>>)
      %dma_start3A_200 = arith.constant 2 : i32
      %dma_start3A_201 = arith.constant 256 : i32
      %dma_start3A_202 = arith.constant 0 : i32
      %dma_start3A_203 = tpu.memref_slice %arg5[%dma_start3A_201, %dma_start3A_202] : memref<512x128xf32, #tpu.memory_space<vmem>> -> memref<128x128xf32, #tpu.memory_space<vmem>>
      %dma_start3A_204 = arith.constant 0 : i32
      %dma_start3A_205 = arith.constant 0 : i32
      %dma_start3A_206 = arith.constant 0 : i32
      %dma_start3A_207 = arith.constant 0 : i32
      %dma_start3A_208 = tpu.memref_slice %arg4[%arg0, %dma_start3A_204, %dma_start3A_205, %dma_start3A_206, %dma_start3A_207] : memref<2x625x4x128x128xf32, #tpu.memory_space<hbm>> -> memref<1x625x4x128x128xf32, #tpu.memory_space<hbm>>
      %dma_start3A_209 = tpu.memref_squeeze %dma_start3A_208 : memref<1x625x4x128x128xf32, #tpu.memory_space<hbm>> -> memref<625x4x128x128xf32, #tpu.memory_space<hbm>>
      %dma_start3A_210 = arith.constant 0 : i32
      %dma_start3A_211 = arith.constant 0 : i32
      %dma_start3A_212 = arith.constant 0 : i32
      %dma_start3A_213 = tpu.memref_slice %dma_start3A_209[%add3A_15, %dma_start3A_210, %dma_start3A_211, %dma_start3A_212] : memref<625x4x128x128xf32, #tpu.memory_space<hbm>> -> memref<1x4x128x128xf32, #tpu.memory_space<hbm>>
      %dma_start3A_214 = tpu.memref_squeeze %dma_start3A_213 : memref<1x4x128x128xf32, #tpu.memory_space<hbm>> -> memref<4x128x128xf32, #tpu.memory_space<hbm>>
      %dma_start3A_215 = arith.constant 0 : i32
      %dma_start3A_216 = arith.constant 0 : i32
      %dma_start3A_217 = tpu.memref_slice %dma_start3A_214[%dma_start3A_200, %dma_start3A_215, %dma_start3A_216] : memref<4x128x128xf32, #tpu.memory_space<hbm>> -> memref<1x128x128xf32, #tpu.memory_space<hbm>>
      %dma_start3A_218 = tpu.memref_squeeze %dma_start3A_217 : memref<1x128x128xf32, #tpu.memory_space<hbm>> -> memref<128x128xf32, #tpu.memory_space<hbm>>
      %dma_start3A_219 = arith.constant 0 : i32
      %dma_start3A_220 = arith.constant 0 : i32
      %dma_start3A_221 = arith.constant 0 : i32
      %dma_start3A_222 = arith.constant 0 : i32
      %dma_start3A_223 = tpu.memref_slice %arg4[%arg0, %dma_start3A_219, %dma_start3A_220, %dma_start3A_221, %dma_start3A_222] : memref<2x625x4x128x128xf32, #tpu.memory_space<hbm>> -> memref<1x625x4x128x128xf32, #tpu.memory_space<hbm>>
      %dma_start3A_224 = tpu.memref_squeeze %dma_start3A_223 : memref<1x625x4x128x128xf32, #tpu.memory_space<hbm>> -> memref<625x4x128x128xf32, #tpu.memory_space<hbm>>
      %dma_start3A_225 = arith.constant 0 : i32
      %dma_start3A_226 = arith.constant 0 : i32
      %dma_start3A_227 = arith.constant 0 : i32
      %dma_start3A_228 = tpu.memref_slice %dma_start3A_224[%add3A_15, %dma_start3A_225, %dma_start3A_226, %dma_start3A_227] : memref<625x4x128x128xf32, #tpu.memory_space<hbm>> -> memref<1x4x128x128xf32, #tpu.memory_space<hbm>>
      %dma_start3A_229 = tpu.memref_squeeze %dma_start3A_228 : memref<1x4x128x128xf32, #tpu.memory_space<hbm>> -> memref<4x128x128xf32, #tpu.memory_space<hbm>>
      %dma_start3A_230 = arith.constant 0 : i32
      %dma_start3A_231 = arith.constant 0 : i32
      %dma_start3A_232 = tpu.memref_slice %dma_start3A_229[%dma_start3A_200, %dma_start3A_230, %dma_start3A_231] : memref<4x128x128xf32, #tpu.memory_space<hbm>> -> memref<1x128x128xf32, #tpu.memory_space<hbm>>
      %dma_start3A_233 = tpu.memref_squeeze %dma_start3A_232 : memref<1x128x128xf32, #tpu.memory_space<hbm>> -> memref<128x128xf32, #tpu.memory_space<hbm>>
      %dma_start3A_234 = arith.constant 256 : i32
      %dma_start3A_235 = arith.constant 0 : i32
      %dma_start3A_236 = tpu.memref_slice %arg5[%dma_start3A_234, %dma_start3A_235] : memref<512x128xf32, #tpu.memory_space<vmem>> -> memref<128x128xf32, #tpu.memory_space<vmem>>
      tpu.enqueue_dma source(%dma_start3A_236 : memref<128x128xf32, #tpu.memory_space<vmem>>) target(%dma_start3A_233 : memref<128x128xf32, #tpu.memory_space<hbm>>) target_semaphore(%arg7 : memref<!tpu.dma_semaphore, #tpu.memory_space<semaphore_mem>>)
      %dma_start3A_237 = arith.constant 3 : i32
      %dma_start3A_238 = arith.constant 384 : i32
      %dma_start3A_239 = arith.constant 0 : i32
      %dma_start3A_240 = tpu.memref_slice %arg5[%dma_start3A_238, %dma_start3A_239] : memref<512x128xf32, #tpu.memory_space<vmem>> -> memref<128x128xf32, #tpu.memory_space<vmem>>
      %dma_start3A_241 = arith.constant 0 : i32
      %dma_start3A_242 = arith.constant 0 : i32
      %dma_start3A_243 = arith.constant 0 : i32
      %dma_start3A_244 = arith.constant 0 : i32
      %dma_start3A_245 = tpu.memref_slice %arg4[%arg0, %dma_start3A_241, %dma_start3A_242, %dma_start3A_243, %dma_start3A_244] : memref<2x625x4x128x128xf32, #tpu.memory_space<hbm>> -> memref<1x625x4x128x128xf32, #tpu.memory_space<hbm>>
      %dma_start3A_246 = tpu.memref_squeeze %dma_start3A_245 : memref<1x625x4x128x128xf32, #tpu.memory_space<hbm>> -> memref<625x4x128x128xf32, #tpu.memory_space<hbm>>
      %dma_start3A_247 = arith.constant 0 : i32
      %dma_start3A_248 = arith.constant 0 : i32
      %dma_start3A_249 = arith.constant 0 : i32
      %dma_start3A_250 = tpu.memref_slice %dma_start3A_246[%add3A_15, %dma_start3A_247, %dma_start3A_248, %dma_start3A_249] : memref<625x4x128x128xf32, #tpu.memory_space<hbm>> -> memref<1x4x128x128xf32, #tpu.memory_space<hbm>>
      %dma_start3A_251 = tpu.memref_squeeze %dma_start3A_250 : memref<1x4x128x128xf32, #tpu.memory_space<hbm>> -> memref<4x128x128xf32, #tpu.memory_space<hbm>>
      %dma_start3A_252 = arith.constant 0 : i32
      %dma_start3A_253 = arith.constant 0 : i32
      %dma_start3A_254 = tpu.memref_slice %dma_start3A_251[%dma_start3A_237, %dma_start3A_252, %dma_start3A_253] : memref<4x128x128xf32, #tpu.memory_space<hbm>> -> memref<1x128x128xf32, #tpu.memory_space<hbm>>
      %dma_start3A_255 = tpu.memref_squeeze %dma_start3A_254 : memref<1x128x128xf32, #tpu.memory_space<hbm>> -> memref<128x128xf32, #tpu.memory_space<hbm>>
      %dma_start3A_256 = arith.constant 0 : i32
      %dma_start3A_257 = arith.constant 0 : i32
      %dma_start3A_258 = arith.constant 0 : i32
      %dma_start3A_259 = arith.constant 0 : i32
      %dma_start3A_260 = tpu.memref_slice %arg4[%arg0, %dma_start3A_256, %dma_start3A_257, %dma_start3A_258, %dma_start3A_259] : memref<2x625x4x128x128xf32, #tpu.memory_space<hbm>> -> memref<1x625x4x128x128xf32, #tpu.memory_space<hbm>>
      %dma_start3A_261 = tpu.memref_squeeze %dma_start3A_260 : memref<1x625x4x128x128xf32, #tpu.memory_space<hbm>> -> memref<625x4x128x128xf32, #tpu.memory_space<hbm>>
      %dma_start3A_262 = arith.constant 0 : i32
      %dma_start3A_263 = arith.constant 0 : i32
      %dma_start3A_264 = arith.constant 0 : i32
      %dma_start3A_265 = tpu.memref_slice %dma_start3A_261[%add3A_15, %dma_start3A_262, %dma_start3A_263, %dma_start3A_264] : memref<625x4x128x128xf32, #tpu.memory_space<hbm>> -> memref<1x4x128x128xf32, #tpu.memory_space<hbm>>
      %dma_start3A_266 = tpu.memref_squeeze %dma_start3A_265 : memref<1x4x128x128xf32, #tpu.memory_space<hbm>> -> memref<4x128x128xf32, #tpu.memory_space<hbm>>
      %dma_start3A_267 = arith.constant 0 : i32
      %dma_start3A_268 = arith.constant 0 : i32
      %dma_start3A_269 = tpu.memref_slice %dma_start3A_266[%dma_start3A_237, %dma_start3A_267, %dma_start3A_268] : memref<4x128x128xf32, #tpu.memory_space<hbm>> -> memref<1x128x128xf32, #tpu.memory_space<hbm>>
      %dma_start3A_270 = tpu.memref_squeeze %dma_start3A_269 : memref<1x128x128xf32, #tpu.memory_space<hbm>> -> memref<128x128xf32, #tpu.memory_space<hbm>>
      %dma_start3A_271 = arith.constant 384 : i32
      %dma_start3A_272 = arith.constant 0 : i32
      %dma_start3A_273 = tpu.memref_slice %arg5[%dma_start3A_271, %dma_start3A_272] : memref<512x128xf32, #tpu.memory_space<vmem>> -> memref<128x128xf32, #tpu.memory_space<vmem>>
      tpu.enqueue_dma source(%dma_start3A_273 : memref<128x128xf32, #tpu.memory_space<vmem>>) target(%dma_start3A_270 : memref<128x128xf32, #tpu.memory_space<hbm>>) target_semaphore(%arg7 : memref<!tpu.dma_semaphore, #tpu.memory_space<semaphore_mem>>)
      %dma_wait3A_274 = arith.constant 0 : i32
      %dma_wait3A_275 = arith.constant 0 : i32
      %dma_wait3A_276 = arith.constant 0 : i32
      %dma_wait3A_277 = tpu.memref_slice %arg5[%dma_wait3A_275, %dma_wait3A_276] : memref<512x128xf32, #tpu.memory_space<vmem>> -> memref<128x128xf32, #tpu.memory_space<vmem>>
      %dma_wait3A_278 = arith.constant 0 : i32
      %dma_wait3A_279 = arith.constant 0 : i32
      %dma_wait3A_280 = arith.constant 0 : i32
      %dma_wait3A_281 = arith.constant 0 : i32
      %dma_wait3A_282 = tpu.memref_slice %arg4[%arg0, %dma_wait3A_278, %dma_wait3A_279, %dma_wait3A_280, %dma_wait3A_281] : memref<2x625x4x128x128xf32, #tpu.memory_space<hbm>> -> memref<1x625x4x128x128xf32, #tpu.memory_space<hbm>>
      %dma_wait3A_283 = tpu.memref_squeeze %dma_wait3A_282 : memref<1x625x4x128x128xf32, #tpu.memory_space<hbm>> -> memref<625x4x128x128xf32, #tpu.memory_space<hbm>>
      %dma_wait3A_284 = arith.constant 0 : i32
      %dma_wait3A_285 = arith.constant 0 : i32
      %dma_wait3A_286 = arith.constant 0 : i32
      %dma_wait3A_287 = tpu.memref_slice %dma_wait3A_283[%add3A_15, %dma_wait3A_284, %dma_wait3A_285, %dma_wait3A_286] : memref<625x4x128x128xf32, #tpu.memory_space<hbm>> -> memref<1x4x128x128xf32, #tpu.memory_space<hbm>>
      %dma_wait3A_288 = tpu.memref_squeeze %dma_wait3A_287 : memref<1x4x128x128xf32, #tpu.memory_space<hbm>> -> memref<4x128x128xf32, #tpu.memory_space<hbm>>
      %dma_wait3A_289 = arith.constant 0 : i32
      %dma_wait3A_290 = arith.constant 0 : i32
      %dma_wait3A_291 = tpu.memref_slice %dma_wait3A_288[%dma_wait3A_274, %dma_wait3A_289, %dma_wait3A_290] : memref<4x128x128xf32, #tpu.memory_space<hbm>> -> memref<1x128x128xf32, #tpu.memory_space<hbm>>
      %dma_wait3A_292 = tpu.memref_squeeze %dma_wait3A_291 : memref<1x128x128xf32, #tpu.memory_space<hbm>> -> memref<128x128xf32, #tpu.memory_space<hbm>>
      %dma_wait3A_293 = arith.constant 0 : i32
      %dma_wait3A_294 = arith.constant 0 : i32
      %dma_wait3A_295 = arith.constant 0 : i32
      %dma_wait3A_296 = arith.constant 0 : i32
      %dma_wait3A_297 = tpu.memref_slice %arg4[%arg0, %dma_wait3A_293, %dma_wait3A_294, %dma_wait3A_295, %dma_wait3A_296] : memref<2x625x4x128x128xf32, #tpu.memory_space<hbm>> -> memref<1x625x4x128x128xf32, #tpu.memory_space<hbm>>
      %dma_wait3A_298 = tpu.memref_squeeze %dma_wait3A_297 : memref<1x625x4x128x128xf32, #tpu.memory_space<hbm>> -> memref<625x4x128x128xf32, #tpu.memory_space<hbm>>
      %dma_wait3A_299 = arith.constant 0 : i32
      %dma_wait3A_300 = arith.constant 0 : i32
      %dma_wait3A_301 = arith.constant 0 : i32
      %dma_wait3A_302 = tpu.memref_slice %dma_wait3A_298[%add3A_15, %dma_wait3A_299, %dma_wait3A_300, %dma_wait3A_301] : memref<625x4x128x128xf32, #tpu.memory_space<hbm>> -> memref<1x4x128x128xf32, #tpu.memory_space<hbm>>
      %dma_wait3A_303 = tpu.memref_squeeze %dma_wait3A_302 : memref<1x4x128x128xf32, #tpu.memory_space<hbm>> -> memref<4x128x128xf32, #tpu.memory_space<hbm>>
      %dma_wait3A_304 = arith.constant 0 : i32
      %dma_wait3A_305 = arith.constant 0 : i32
      %dma_wait3A_306 = tpu.memref_slice %dma_wait3A_303[%dma_wait3A_274, %dma_wait3A_304, %dma_wait3A_305] : memref<4x128x128xf32, #tpu.memory_space<hbm>> -> memref<1x128x128xf32, #tpu.memory_space<hbm>>
      %dma_wait3A_307 = tpu.memref_squeeze %dma_wait3A_306 : memref<1x128x128xf32, #tpu.memory_space<hbm>> -> memref<128x128xf32, #tpu.memory_space<hbm>>
      %dma_wait3A_308 = arith.constant 0 : i32
      %dma_wait3A_309 = arith.constant 0 : i32
      %dma_wait3A_310 = tpu.memref_slice %arg5[%dma_wait3A_308, %dma_wait3A_309] : memref<512x128xf32, #tpu.memory_space<vmem>> -> memref<128x128xf32, #tpu.memory_space<vmem>>
      tpu.wait_dma2 semaphore(%arg7 : memref<!tpu.dma_semaphore, #tpu.memory_space<semaphore_mem>>) src(%dma_wait3A_310 : memref<128x128xf32, #tpu.memory_space<vmem>>) dst(%dma_wait3A_307 : memref<128x128xf32, #tpu.memory_space<hbm>>)
      %dma_wait3A_311 = arith.constant 1 : i32
      %dma_wait3A_312 = arith.constant 128 : i32
      %dma_wait3A_313 = arith.constant 0 : i32
      %dma_wait3A_314 = tpu.memref_slice %arg5[%dma_wait3A_312, %dma_wait3A_313] : memref<512x128xf32, #tpu.memory_space<vmem>> -> memref<128x128xf32, #tpu.memory_space<vmem>>
      %dma_wait3A_315 = arith.constant 0 : i32
      %dma_wait3A_316 = arith.constant 0 : i32
      %dma_wait3A_317 = arith.constant 0 : i32
      %dma_wait3A_318 = arith.constant 0 : i32
      %dma_wait3A_319 = tpu.memref_slice %arg4[%arg0, %dma_wait3A_315, %dma_wait3A_316, %dma_wait3A_317, %dma_wait3A_318] : memref<2x625x4x128x128xf32, #tpu.memory_space<hbm>> -> memref<1x625x4x128x128xf32, #tpu.memory_space<hbm>>
      %dma_wait3A_320 = tpu.memref_squeeze %dma_wait3A_319 : memref<1x625x4x128x128xf32, #tpu.memory_space<hbm>> -> memref<625x4x128x128xf32, #tpu.memory_space<hbm>>
      %dma_wait3A_321 = arith.constant 0 : i32
      %dma_wait3A_322 = arith.constant 0 : i32
      %dma_wait3A_323 = arith.constant 0 : i32
      %dma_wait3A_324 = tpu.memref_slice %dma_wait3A_320[%add3A_15, %dma_wait3A_321, %dma_wait3A_322, %dma_wait3A_323] : memref<625x4x128x128xf32, #tpu.memory_space<hbm>> -> memref<1x4x128x128xf32, #tpu.memory_space<hbm>>
      %dma_wait3A_325 = tpu.memref_squeeze %dma_wait3A_324 : memref<1x4x128x128xf32, #tpu.memory_space<hbm>> -> memref<4x128x128xf32, #tpu.memory_space<hbm>>
      %dma_wait3A_326 = arith.constant 0 : i32
      %dma_wait3A_327 = arith.constant 0 : i32
      %dma_wait3A_328 = tpu.memref_slice %dma_wait3A_325[%dma_wait3A_311, %dma_wait3A_326, %dma_wait3A_327] : memref<4x128x128xf32, #tpu.memory_space<hbm>> -> memref<1x128x128xf32, #tpu.memory_space<hbm>>
      %dma_wait3A_329 = tpu.memref_squeeze %dma_wait3A_328 : memref<1x128x128xf32, #tpu.memory_space<hbm>> -> memref<128x128xf32, #tpu.memory_space<hbm>>
      %dma_wait3A_330 = arith.constant 0 : i32
      %dma_wait3A_331 = arith.constant 0 : i32
      %dma_wait3A_332 = arith.constant 0 : i32
      %dma_wait3A_333 = arith.constant 0 : i32
      %dma_wait3A_334 = tpu.memref_slice %arg4[%arg0, %dma_wait3A_330, %dma_wait3A_331, %dma_wait3A_332, %dma_wait3A_333] : memref<2x625x4x128x128xf32, #tpu.memory_space<hbm>> -> memref<1x625x4x128x128xf32, #tpu.memory_space<hbm>>
      %dma_wait3A_335 = tpu.memref_squeeze %dma_wait3A_334 : memref<1x625x4x128x128xf32, #tpu.memory_space<hbm>> -> memref<625x4x128x128xf32, #tpu.memory_space<hbm>>
      %dma_wait3A_336 = arith.constant 0 : i32
      %dma_wait3A_337 = arith.constant 0 : i32
      %dma_wait3A_338 = arith.constant 0 : i32
      %dma_wait3A_339 = tpu.memref_slice %dma_wait3A_335[%add3A_15, %dma_wait3A_336, %dma_wait3A_337, %dma_wait3A_338] : memref<625x4x128x128xf32, #tpu.memory_space<hbm>> -> memref<1x4x128x128xf32, #tpu.memory_space<hbm>>
      %dma_wait3A_340 = tpu.memref_squeeze %dma_wait3A_339 : memref<1x4x128x128xf32, #tpu.memory_space<hbm>> -> memref<4x128x128xf32, #tpu.memory_space<hbm>>
      %dma_wait3A_341 = arith.constant 0 : i32
      %dma_wait3A_342 = arith.constant 0 : i32
      %dma_wait3A_343 = tpu.memref_slice %dma_wait3A_340[%dma_wait3A_311, %dma_wait3A_341, %dma_wait3A_342] : memref<4x128x128xf32, #tpu.memory_space<hbm>> -> memref<1x128x128xf32, #tpu.memory_space<hbm>>
      %dma_wait3A_344 = tpu.memref_squeeze %dma_wait3A_343 : memref<1x128x128xf32, #tpu.memory_space<hbm>> -> memref<128x128xf32, #tpu.memory_space<hbm>>
      %dma_wait3A_345 = arith.constant 128 : i32
      %dma_wait3A_346 = arith.constant 0 : i32
      %dma_wait3A_347 = tpu.memref_slice %arg5[%dma_wait3A_345, %dma_wait3A_346] : memref<512x128xf32, #tpu.memory_space<vmem>> -> memref<128x128xf32, #tpu.memory_space<vmem>>
      tpu.wait_dma2 semaphore(%arg7 : memref<!tpu.dma_semaphore, #tpu.memory_space<semaphore_mem>>) src(%dma_wait3A_347 : memref<128x128xf32, #tpu.memory_space<vmem>>) dst(%dma_wait3A_344 : memref<128x128xf32, #tpu.memory_space<hbm>>)
      %dma_wait3A_348 = arith.constant 2 : i32
      %dma_wait3A_349 = arith.constant 256 : i32
      %dma_wait3A_350 = arith.constant 0 : i32
      %dma_wait3A_351 = tpu.memref_slice %arg5[%dma_wait3A_349, %dma_wait3A_350] : memref<512x128xf32, #tpu.memory_space<vmem>> -> memref<128x128xf32, #tpu.memory_space<vmem>>
      %dma_wait3A_352 = arith.constant 0 : i32
      %dma_wait3A_353 = arith.constant 0 : i32
      %dma_wait3A_354 = arith.constant 0 : i32
      %dma_wait3A_355 = arith.constant 0 : i32
      %dma_wait3A_356 = tpu.memref_slice %arg4[%arg0, %dma_wait3A_352, %dma_wait3A_353, %dma_wait3A_354, %dma_wait3A_355] : memref<2x625x4x128x128xf32, #tpu.memory_space<hbm>> -> memref<1x625x4x128x128xf32, #tpu.memory_space<hbm>>
      %dma_wait3A_357 = tpu.memref_squeeze %dma_wait3A_356 : memref<1x625x4x128x128xf32, #tpu.memory_space<hbm>> -> memref<625x4x128x128xf32, #tpu.memory_space<hbm>>
      %dma_wait3A_358 = arith.constant 0 : i32
      %dma_wait3A_359 = arith.constant 0 : i32
      %dma_wait3A_360 = arith.constant 0 : i32
      %dma_wait3A_361 = tpu.memref_slice %dma_wait3A_357[%add3A_15, %dma_wait3A_358, %dma_wait3A_359, %dma_wait3A_360] : memref<625x4x128x128xf32, #tpu.memory_space<hbm>> -> memref<1x4x128x128xf32, #tpu.memory_space<hbm>>
      %dma_wait3A_362 = tpu.memref_squeeze %dma_wait3A_361 : memref<1x4x128x128xf32, #tpu.memory_space<hbm>> -> memref<4x128x128xf32, #tpu.memory_space<hbm>>
      %dma_wait3A_363 = arith.constant 0 : i32
      %dma_wait3A_364 = arith.constant 0 : i32
      %dma_wait3A_365 = tpu.memref_slice %dma_wait3A_362[%dma_wait3A_348, %dma_wait3A_363, %dma_wait3A_364] : memref<4x128x128xf32, #tpu.memory_space<hbm>> -> memref<1x128x128xf32, #tpu.memory_space<hbm>>
      %dma_wait3A_366 = tpu.memref_squeeze %dma_wait3A_365 : memref<1x128x128xf32, #tpu.memory_space<hbm>> -> memref<128x128xf32, #tpu.memory_space<hbm>>
      %dma_wait3A_367 = arith.constant 0 : i32
      %dma_wait3A_368 = arith.constant 0 : i32
      %dma_wait3A_369 = arith.constant 0 : i32
      %dma_wait3A_370 = arith.constant 0 : i32
      %dma_wait3A_371 = tpu.memref_slice %arg4[%arg0, %dma_wait3A_367, %dma_wait3A_368, %dma_wait3A_369, %dma_wait3A_370] : memref<2x625x4x128x128xf32, #tpu.memory_space<hbm>> -> memref<1x625x4x128x128xf32, #tpu.memory_space<hbm>>
      %dma_wait3A_372 = tpu.memref_squeeze %dma_wait3A_371 : memref<1x625x4x128x128xf32, #tpu.memory_space<hbm>> -> memref<625x4x128x128xf32, #tpu.memory_space<hbm>>
      %dma_wait3A_373 = arith.constant 0 : i32
      %dma_wait3A_374 = arith.constant 0 : i32
      %dma_wait3A_375 = arith.constant 0 : i32
      %dma_wait3A_376 = tpu.memref_slice %dma_wait3A_372[%add3A_15, %dma_wait3A_373, %dma_wait3A_374, %dma_wait3A_375] : memref<625x4x128x128xf32, #tpu.memory_space<hbm>> -> memref<1x4x128x128xf32, #tpu.memory_space<hbm>>
      %dma_wait3A_377 = tpu.memref_squeeze %dma_wait3A_376 : memref<1x4x128x128xf32, #tpu.memory_space<hbm>> -> memref<4x128x128xf32, #tpu.memory_space<hbm>>
      %dma_wait3A_378 = arith.constant 0 : i32
      %dma_wait3A_379 = arith.constant 0 : i32
      %dma_wait3A_380 = tpu.memref_slice %dma_wait3A_377[%dma_wait3A_348, %dma_wait3A_378, %dma_wait3A_379] : memref<4x128x128xf32, #tpu.memory_space<hbm>> -> memref<1x128x128xf32, #tpu.memory_space<hbm>>
      %dma_wait3A_381 = tpu.memref_squeeze %dma_wait3A_380 : memref<1x128x128xf32, #tpu.memory_space<hbm>> -> memref<128x128xf32, #tpu.memory_space<hbm>>
      %dma_wait3A_382 = arith.constant 256 : i32
      %dma_wait3A_383 = arith.constant 0 : i32
      %dma_wait3A_384 = tpu.memref_slice %arg5[%dma_wait3A_382, %dma_wait3A_383] : memref<512x128xf32, #tpu.memory_space<vmem>> -> memref<128x128xf32, #tpu.memory_space<vmem>>
      tpu.wait_dma2 semaphore(%arg7 : memref<!tpu.dma_semaphore, #tpu.memory_space<semaphore_mem>>) src(%dma_wait3A_384 : memref<128x128xf32, #tpu.memory_space<vmem>>) dst(%dma_wait3A_381 : memref<128x128xf32, #tpu.memory_space<hbm>>)
      %dma_wait3A_385 = arith.constant 3 : i32
      %dma_wait3A_386 = arith.constant 384 : i32
      %dma_wait3A_387 = arith.constant 0 : i32
      %dma_wait3A_388 = tpu.memref_slice %arg5[%dma_wait3A_386, %dma_wait3A_387] : memref<512x128xf32, #tpu.memory_space<vmem>> -> memref<128x128xf32, #tpu.memory_space<vmem>>
      %dma_wait3A_389 = arith.constant 0 : i32
      %dma_wait3A_390 = arith.constant 0 : i32
      %dma_wait3A_391 = arith.constant 0 : i32
      %dma_wait3A_392 = arith.constant 0 : i32
      %dma_wait3A_393 = tpu.memref_slice %arg4[%arg0, %dma_wait3A_389, %dma_wait3A_390, %dma_wait3A_391, %dma_wait3A_392] : memref<2x625x4x128x128xf32, #tpu.memory_space<hbm>> -> memref<1x625x4x128x128xf32, #tpu.memory_space<hbm>>
      %dma_wait3A_394 = tpu.memref_squeeze %dma_wait3A_393 : memref<1x625x4x128x128xf32, #tpu.memory_space<hbm>> -> memref<625x4x128x128xf32, #tpu.memory_space<hbm>>
      %dma_wait3A_395 = arith.constant 0 : i32
      %dma_wait3A_396 = arith.constant 0 : i32
      %dma_wait3A_397 = arith.constant 0 : i32
      %dma_wait3A_398 = tpu.memref_slice %dma_wait3A_394[%add3A_15, %dma_wait3A_395, %dma_wait3A_396, %dma_wait3A_397] : memref<625x4x128x128xf32, #tpu.memory_space<hbm>> -> memref<1x4x128x128xf32, #tpu.memory_space<hbm>>
      %dma_wait3A_399 = tpu.memref_squeeze %dma_wait3A_398 : memref<1x4x128x128xf32, #tpu.memory_space<hbm>> -> memref<4x128x128xf32, #tpu.memory_space<hbm>>
      %dma_wait3A_400 = arith.constant 0 : i32
      %dma_wait3A_401 = arith.constant 0 : i32
      %dma_wait3A_402 = tpu.memref_slice %dma_wait3A_399[%dma_wait3A_385, %dma_wait3A_400, %dma_wait3A_401] : memref<4x128x128xf32, #tpu.memory_space<hbm>> -> memref<1x128x128xf32, #tpu.memory_space<hbm>>
      %dma_wait3A_403 = tpu.memref_squeeze %dma_wait3A_402 : memref<1x128x128xf32, #tpu.memory_space<hbm>> -> memref<128x128xf32, #tpu.memory_space<hbm>>
      %dma_wait3A_404 = arith.constant 0 : i32
      %dma_wait3A_405 = arith.constant 0 : i32
      %dma_wait3A_406 = arith.constant 0 : i32
      %dma_wait3A_407 = arith.constant 0 : i32
      %dma_wait3A_408 = tpu.memref_slice %arg4[%arg0, %dma_wait3A_404, %dma_wait3A_405, %dma_wait3A_406, %dma_wait3A_407] : memref<2x625x4x128x128xf32, #tpu.memory_space<hbm>> -> memref<1x625x4x128x128xf32, #tpu.memory_space<hbm>>
      %dma_wait3A_409 = tpu.memref_squeeze %dma_wait3A_408 : memref<1x625x4x128x128xf32, #tpu.memory_space<hbm>> -> memref<625x4x128x128xf32, #tpu.memory_space<hbm>>
      %dma_wait3A_410 = arith.constant 0 : i32
      %dma_wait3A_411 = arith.constant 0 : i32
      %dma_wait3A_412 = arith.constant 0 : i32
      %dma_wait3A_413 = tpu.memref_slice %dma_wait3A_409[%add3A_15, %dma_wait3A_410, %dma_wait3A_411, %dma_wait3A_412] : memref<625x4x128x128xf32, #tpu.memory_space<hbm>> -> memref<1x4x128x128xf32, #tpu.memory_space<hbm>>
      %dma_wait3A_414 = tpu.memref_squeeze %dma_wait3A_413 : memref<1x4x128x128xf32, #tpu.memory_space<hbm>> -> memref<4x128x128xf32, #tpu.memory_space<hbm>>
      %dma_wait3A_415 = arith.constant 0 : i32
      %dma_wait3A_416 = arith.constant 0 : i32
      %dma_wait3A_417 = tpu.memref_slice %dma_wait3A_414[%dma_wait3A_385, %dma_wait3A_415, %dma_wait3A_416] : memref<4x128x128xf32, #tpu.memory_space<hbm>> -> memref<1x128x128xf32, #tpu.memory_space<hbm>>
      %dma_wait3A_418 = tpu.memref_squeeze %dma_wait3A_417 : memref<1x128x128xf32, #tpu.memory_space<hbm>> -> memref<128x128xf32, #tpu.memory_space<hbm>>
      %dma_wait3A_419 = arith.constant 384 : i32
      %dma_wait3A_420 = arith.constant 0 : i32
      %dma_wait3A_421 = tpu.memref_slice %arg5[%dma_wait3A_419, %dma_wait3A_420] : memref<512x128xf32, #tpu.memory_space<vmem>> -> memref<128x128xf32, #tpu.memory_space<vmem>>
      tpu.wait_dma2 semaphore(%arg7 : memref<!tpu.dma_semaphore, #tpu.memory_space<semaphore_mem>>) src(%dma_wait3A_421 : memref<128x128xf32, #tpu.memory_space<vmem>>) dst(%dma_wait3A_418 : memref<128x128xf32, #tpu.memory_space<hbm>>)
    }
    %while3A_13 = arith.constant 1 : i32
    scf.for %while3A_14 = %while3A_11 to %while3A_7 step %while3A_13  : i32 {
      %mul3A = arith.muli %while3A_14, %while3A : i32
      %add3A_15 = arith.addi %arg1, %mul3A : i32
      "tpu.region"() ({
        %run_scoped3A = tpu.sem_alloc : memref<!tpu.dma_semaphore, #tpu.memory_space<semaphore_mem>>
        %dma_start3A_422 = arith.constant 0 : i32
        %dma_start3A_423 = arith.constant 0 : i32
        %dma_start3A_424 = arith.constant 0 : i32
        %dma_start3A_425 = tpu.memref_slice %arg3[%arg0, %dma_start3A_422, %dma_start3A_423, %dma_start3A_424] : memref<2x625x4x128xi32, #tpu.memory_space<hbm>> -> memref<1x625x4x128xi32, #tpu.memory_space<hbm>>
        %dma_start3A_426 = tpu.memref_squeeze %dma_start3A_425 : memref<1x625x4x128xi32, #tpu.memory_space<hbm>> -> memref<625x4x128xi32, #tpu.memory_space<hbm>>
        %dma_start3A_427 = arith.constant 0 : i32
        %dma_start3A_428 = arith.constant 0 : i32
        %dma_start3A_429 = tpu.memref_slice %dma_start3A_426[%add3A_15, %dma_start3A_427, %dma_start3A_428] : memref<625x4x128xi32, #tpu.memory_space<hbm>> -> memref<1x4x128xi32, #tpu.memory_space<hbm>>
        %dma_start3A_430 = tpu.memref_squeeze %dma_start3A_429 : memref<1x4x128xi32, #tpu.memory_space<hbm>> -> memref<4x128xi32, #tpu.memory_space<hbm>>
        %dma_start3A_431 = arith.constant 0 : i32
        %dma_start3A_432 = arith.constant 0 : i32
        %dma_start3A_433 = arith.constant 0 : i32
        %dma_start3A_434 = tpu.memref_slice %arg3[%arg0, %dma_start3A_431, %dma_start3A_432, %dma_start3A_433] : memref<2x625x4x128xi32, #tpu.memory_space<hbm>> -> memref<1x625x4x128xi32, #tpu.memory_space<hbm>>
        %dma_start3A_435 = tpu.memref_squeeze %dma_start3A_434 : memref<1x625x4x128xi32, #tpu.memory_space<hbm>> -> memref<625x4x128xi32, #tpu.memory_space<hbm>>
        %dma_start3A_436 = arith.constant 0 : i32
        %dma_start3A_437 = arith.constant 0 : i32
        %dma_start3A_438 = tpu.memref_slice %dma_start3A_435[%add3A_15, %dma_start3A_436, %dma_start3A_437] : memref<625x4x128xi32, #tpu.memory_space<hbm>> -> memref<1x4x128xi32, #tpu.memory_space<hbm>>
        %dma_start3A_439 = tpu.memref_squeeze %dma_start3A_438 : memref<1x4x128xi32, #tpu.memory_space<hbm>> -> memref<4x128xi32, #tpu.memory_space<hbm>>
        tpu.enqueue_dma source(%dma_start3A_439 : memref<4x128xi32, #tpu.memory_space<hbm>>) target(%arg6 : memref<4x128xi32, #tpu.memory_space<vmem>>) target_semaphore(%run_scoped3A : memref<!tpu.dma_semaphore, #tpu.memory_space<semaphore_mem>>)
        %dma_wait3A_440 = arith.constant 0 : i32
        %dma_wait3A_441 = arith.constant 0 : i32
        %dma_wait3A_442 = arith.constant 0 : i32
        %dma_wait3A_443 = tpu.memref_slice %arg3[%arg0, %dma_wait3A_440, %dma_wait3A_441, %dma_wait3A_442] : memref<2x625x4x128xi32, #tpu.memory_space<hbm>> -> memref<1x625x4x128xi32, #tpu.memory_space<hbm>>
        %dma_wait3A_444 = tpu.memref_squeeze %dma_wait3A_443 : memref<1x625x4x128xi32, #tpu.memory_space<hbm>> -> memref<625x4x128xi32, #tpu.memory_space<hbm>>
        %dma_wait3A_445 = arith.constant 0 : i32
        %dma_wait3A_446 = arith.constant 0 : i32
        %dma_wait3A_447 = tpu.memref_slice %dma_wait3A_444[%add3A_15, %dma_wait3A_445, %dma_wait3A_446] : memref<625x4x128xi32, #tpu.memory_space<hbm>> -> memref<1x4x128xi32, #tpu.memory_space<hbm>>
        %dma_wait3A_448 = tpu.memref_squeeze %dma_wait3A_447 : memref<1x4x128xi32, #tpu.memory_space<hbm>> -> memref<4x128xi32, #tpu.memory_space<hbm>>
        %dma_wait3A_449 = arith.constant 0 : i32
        %dma_wait3A_450 = arith.constant 0 : i32
        %dma_wait3A_451 = arith.constant 0 : i32
        %dma_wait3A_452 = tpu.memref_slice %arg3[%arg0, %dma_wait3A_449, %dma_wait3A_450, %dma_wait3A_451] : memref<2x625x4x128xi32, #tpu.memory_space<hbm>> -> memref<1x625x4x128xi32, #tpu.memory_space<hbm>>
        %dma_wait3A_453 = tpu.memref_squeeze %dma_wait3A_452 : memref<1x625x4x128xi32, #tpu.memory_space<hbm>> -> memref<625x4x128xi32, #tpu.memory_space<hbm>>
        %dma_wait3A_454 = arith.constant 0 : i32
        %dma_wait3A_455 = arith.constant 0 : i32
        %dma_wait3A_456 = tpu.memref_slice %dma_wait3A_453[%add3A_15, %dma_wait3A_454, %dma_wait3A_455] : memref<625x4x128xi32, #tpu.memory_space<hbm>> -> memref<1x4x128xi32, #tpu.memory_space<hbm>>
        %dma_wait3A_457 = tpu.memref_squeeze %dma_wait3A_456 : memref<1x4x128xi32, #tpu.memory_space<hbm>> -> memref<4x128xi32, #tpu.memory_space<hbm>>
        tpu.wait_dma2 semaphore(%run_scoped3A : memref<!tpu.dma_semaphore, #tpu.memory_space<semaphore_mem>>) src(%dma_wait3A_457 : memref<4x128xi32, #tpu.memory_space<hbm>>) dst(%arg6 : memref<4x128xi32, #tpu.memory_space<vmem>>)
        tpu.yield
      }) : () -> ()
      %dma_start3A = arith.constant 0 : i32
      %dma_start3A_16 = arith.constant 0 : i32
      %dma_start3A_17 = arith.constant 0 : i32
      %dma_start3A_18 = tpu.memref_slice %arg5[%dma_start3A_16, %dma_start3A_17] : memref<512x128xf32, #tpu.memory_space<vmem>> -> memref<128x128xf32, #tpu.memory_space<vmem>>
      %dma_start3A_19 = arith.constant 0 : i32
      %dma_start3A_20 = tpu.memref_slice %arg6[%dma_start3A, %dma_start3A_19] : memref<4x128xi32, #tpu.memory_space<vmem>> -> memref<1x128xi32, #tpu.memory_space<vmem>>
      %dma_start3A_21 = tpu.memref_squeeze %dma_start3A_20 : memref<1x128xi32, #tpu.memory_space<vmem>> -> memref<128xi32, #tpu.memory_space<vmem>>
      %dma_start3A_22 = arith.constant 0 : i32
      %dma_start3A_23 = arith.constant 0 : i32
      %dma_start3A_24 = tpu.memref_slice %arg2[%arg0, %dma_start3A_22, %dma_start3A_23] : memref<2x10240x128xf32, #tpu.memory_space<hbm>> -> memref<1x10240x128xf32, #tpu.memory_space<hbm>>
      %dma_start3A_25 = tpu.memref_squeeze %dma_start3A_24 : memref<1x10240x128xf32, #tpu.memory_space<hbm>> -> memref<10240x128xf32, #tpu.memory_space<hbm>>
      %dma_start3A_26 = arith.constant 0 : i32
      %dma_start3A_27 = arith.constant 0 : i32
      %dma_start3A_28 = tpu.memref_slice %dma_start3A_25[%dma_start3A_26, %dma_start3A_27] : memref<10240x128xf32, #tpu.memory_space<hbm>> -> memref<10240x128xf32, #tpu.memory_space<hbm>>
      tpu.enqueue_indirect_dma source(%dma_start3A_28 : memref<10240x128xf32, #tpu.memory_space<hbm>>) target(%dma_start3A_18 : memref<128x128xf32, #tpu.memory_space<vmem>>) offsets(%dma_start3A_21 : memref<128xi32, #tpu.memory_space<vmem>>) semaphore(%arg7 : memref<!tpu.dma_semaphore, #tpu.memory_space<semaphore_mem>>)
      %dma_start3A_29 = arith.constant 1 : i32
      %dma_start3A_30 = arith.constant 128 : i32
      %dma_start3A_31 = arith.constant 0 : i32
      %dma_start3A_32 = tpu.memref_slice %arg5[%dma_start3A_30, %dma_start3A_31] : memref<512x128xf32, #tpu.memory_space<vmem>> -> memref<128x128xf32, #tpu.memory_space<vmem>>
      %dma_start3A_33 = arith.constant 0 : i32
      %dma_start3A_34 = tpu.memref_slice %arg6[%dma_start3A_29, %dma_start3A_33] : memref<4x128xi32, #tpu.memory_space<vmem>> -> memref<1x128xi32, #tpu.memory_space<vmem>>
      %dma_start3A_35 = tpu.memref_squeeze %dma_start3A_34 : memref<1x128xi32, #tpu.memory_space<vmem>> -> memref<128xi32, #tpu.memory_space<vmem>>
      %dma_start3A_36 = arith.constant 0 : i32
      %dma_start3A_37 = arith.constant 0 : i32
      %dma_start3A_38 = tpu.memref_slice %arg2[%arg0, %dma_start3A_36, %dma_start3A_37] : memref<2x10240x128xf32, #tpu.memory_space<hbm>> -> memref<1x10240x128xf32, #tpu.memory_space<hbm>>
      %dma_start3A_39 = tpu.memref_squeeze %dma_start3A_38 : memref<1x10240x128xf32, #tpu.memory_space<hbm>> -> memref<10240x128xf32, #tpu.memory_space<hbm>>
      %dma_start3A_40 = arith.constant 0 : i32
      %dma_start3A_41 = arith.constant 0 : i32
      %dma_start3A_42 = tpu.memref_slice %dma_start3A_39[%dma_start3A_40, %dma_start3A_41] : memref<10240x128xf32, #tpu.memory_space<hbm>> -> memref<10240x128xf32, #tpu.memory_space<hbm>>
      tpu.enqueue_indirect_dma source(%dma_start3A_42 : memref<10240x128xf32, #tpu.memory_space<hbm>>) target(%dma_start3A_32 : memref<128x128xf32, #tpu.memory_space<vmem>>) offsets(%dma_start3A_35 : memref<128xi32, #tpu.memory_space<vmem>>) semaphore(%arg7 : memref<!tpu.dma_semaphore, #tpu.memory_space<semaphore_mem>>)
      %dma_start3A_43 = arith.constant 2 : i32
      %dma_start3A_44 = arith.constant 256 : i32
      %dma_start3A_45 = arith.constant 0 : i32
      %dma_start3A_46 = tpu.memref_slice %arg5[%dma_start3A_44, %dma_start3A_45] : memref<512x128xf32, #tpu.memory_space<vmem>> -> memref<128x128xf32, #tpu.memory_space<vmem>>
      %dma_start3A_47 = arith.constant 0 : i32
      %dma_start3A_48 = tpu.memref_slice %arg6[%dma_start3A_43, %dma_start3A_47] : memref<4x128xi32, #tpu.memory_space<vmem>> -> memref<1x128xi32, #tpu.memory_space<vmem>>
      %dma_start3A_49 = tpu.memref_squeeze %dma_start3A_48 : memref<1x128xi32, #tpu.memory_space<vmem>> -> memref<128xi32, #tpu.memory_space<vmem>>
      %dma_start3A_50 = arith.constant 0 : i32
      %dma_start3A_51 = arith.constant 0 : i32
      %dma_start3A_52 = tpu.memref_slice %arg2[%arg0, %dma_start3A_50, %dma_start3A_51] : memref<2x10240x128xf32, #tpu.memory_space<hbm>> -> memref<1x10240x128xf32, #tpu.memory_space<hbm>>
      %dma_start3A_53 = tpu.memref_squeeze %dma_start3A_52 : memref<1x10240x128xf32, #tpu.memory_space<hbm>> -> memref<10240x128xf32, #tpu.memory_space<hbm>>
      %dma_start3A_54 = arith.constant 0 : i32
      %dma_start3A_55 = arith.constant 0 : i32
      %dma_start3A_56 = tpu.memref_slice %dma_start3A_53[%dma_start3A_54, %dma_start3A_55] : memref<10240x128xf32, #tpu.memory_space<hbm>> -> memref<10240x128xf32, #tpu.memory_space<hbm>>
      tpu.enqueue_indirect_dma source(%dma_start3A_56 : memref<10240x128xf32, #tpu.memory_space<hbm>>) target(%dma_start3A_46 : memref<128x128xf32, #tpu.memory_space<vmem>>) offsets(%dma_start3A_49 : memref<128xi32, #tpu.memory_space<vmem>>) semaphore(%arg7 : memref<!tpu.dma_semaphore, #tpu.memory_space<semaphore_mem>>)
      %dma_start3A_57 = arith.constant 3 : i32
      %dma_start3A_58 = arith.constant 384 : i32
      %dma_start3A_59 = arith.constant 0 : i32
      %dma_start3A_60 = tpu.memref_slice %arg5[%dma_start3A_58, %dma_start3A_59] : memref<512x128xf32, #tpu.memory_space<vmem>> -> memref<128x128xf32, #tpu.memory_space<vmem>>
      %dma_start3A_61 = arith.constant 0 : i32
      %dma_start3A_62 = tpu.memref_slice %arg6[%dma_start3A_57, %dma_start3A_61] : memref<4x128xi32, #tpu.memory_space<vmem>> -> memref<1x128xi32, #tpu.memory_space<vmem>>
      %dma_start3A_63 = tpu.memref_squeeze %dma_start3A_62 : memref<1x128xi32, #tpu.memory_space<vmem>> -> memref<128xi32, #tpu.memory_space<vmem>>
      %dma_start3A_64 = arith.constant 0 : i32
      %dma_start3A_65 = arith.constant 0 : i32
      %dma_start3A_66 = tpu.memref_slice %arg2[%arg0, %dma_start3A_64, %dma_start3A_65] : memref<2x10240x128xf32, #tpu.memory_space<hbm>> -> memref<1x10240x128xf32, #tpu.memory_space<hbm>>
      %dma_start3A_67 = tpu.memref_squeeze %dma_start3A_66 : memref<1x10240x128xf32, #tpu.memory_space<hbm>> -> memref<10240x128xf32, #tpu.memory_space<hbm>>
      %dma_start3A_68 = arith.constant 0 : i32
      %dma_start3A_69 = arith.constant 0 : i32
      %dma_start3A_70 = tpu.memref_slice %dma_start3A_67[%dma_start3A_68, %dma_start3A_69] : memref<10240x128xf32, #tpu.memory_space<hbm>> -> memref<10240x128xf32, #tpu.memory_space<hbm>>
      tpu.enqueue_indirect_dma source(%dma_start3A_70 : memref<10240x128xf32, #tpu.memory_space<hbm>>) target(%dma_start3A_60 : memref<128x128xf32, #tpu.memory_space<vmem>>) offsets(%dma_start3A_63 : memref<128xi32, #tpu.memory_space<vmem>>) semaphore(%arg7 : memref<!tpu.dma_semaphore, #tpu.memory_space<semaphore_mem>>)
      %dma_wait3A = arith.constant 0 : i32
      %dma_wait3A_71 = arith.constant 0 : i32
      %dma_wait3A_72 = arith.constant 0 : i32
      %dma_wait3A_73 = tpu.memref_slice %arg5[%dma_wait3A_71, %dma_wait3A_72] : memref<512x128xf32, #tpu.memory_space<vmem>> -> memref<128x128xf32, #tpu.memory_space<vmem>>
      %dma_wait3A_74 = arith.constant 0 : i32
      %dma_wait3A_75 = tpu.memref_slice %arg6[%dma_wait3A, %dma_wait3A_74] : memref<4x128xi32, #tpu.memory_space<vmem>> -> memref<1x128xi32, #tpu.memory_space<vmem>>
      %dma_wait3A_76 = tpu.memref_squeeze %dma_wait3A_75 : memref<1x128xi32, #tpu.memory_space<vmem>> -> memref<128xi32, #tpu.memory_space<vmem>>
      %dma_wait3A_77 = arith.constant 0 : i32
      %dma_wait3A_78 = arith.constant 0 : i32
      %dma_wait3A_79 = tpu.memref_slice %arg2[%arg0, %dma_wait3A_77, %dma_wait3A_78] : memref<2x10240x128xf32, #tpu.memory_space<hbm>> -> memref<1x10240x128xf32, #tpu.memory_space<hbm>>
      %dma_wait3A_80 = tpu.memref_squeeze %dma_wait3A_79 : memref<1x10240x128xf32, #tpu.memory_space<hbm>> -> memref<10240x128xf32, #tpu.memory_space<hbm>>
      %dma_wait3A_81 = arith.constant 0 : i32
      %dma_wait3A_82 = arith.constant 0 : i32
      %dma_wait3A_83 = tpu.memref_slice %dma_wait3A_80[%dma_wait3A_81, %dma_wait3A_82] : memref<10240x128xf32, #tpu.memory_space<hbm>> -> memref<10240x128xf32, #tpu.memory_space<hbm>>
      tpu.wait_indirect_dma semaphore(%arg7 : memref<!tpu.dma_semaphore, #tpu.memory_space<semaphore_mem>>) src(%dma_wait3A_83 : memref<10240x128xf32, #tpu.memory_space<hbm>>) dst(%dma_wait3A_73 : memref<128x128xf32, #tpu.memory_space<vmem>>)
      %dma_wait3A_84 = arith.constant 1 : i32
      %dma_wait3A_85 = arith.constant 128 : i32
      %dma_wait3A_86 = arith.constant 0 : i32
      %dma_wait3A_87 = tpu.memref_slice %arg5[%dma_wait3A_85, %dma_wait3A_86] : memref<512x128xf32, #tpu.memory_space<vmem>> -> memref<128x128xf32, #tpu.memory_space<vmem>>
      %dma_wait3A_88 = arith.constant 0 : i32
      %dma_wait3A_89 = tpu.memref_slice %arg6[%dma_wait3A_84, %dma_wait3A_88] : memref<4x128xi32, #tpu.memory_space<vmem>> -> memref<1x128xi32, #tpu.memory_space<vmem>>
      %dma_wait3A_90 = tpu.memref_squeeze %dma_wait3A_89 : memref<1x128xi32, #tpu.memory_space<vmem>> -> memref<128xi32, #tpu.memory_space<vmem>>
      %dma_wait3A_91 = arith.constant 0 : i32
      %dma_wait3A_92 = arith.constant 0 : i32
      %dma_wait3A_93 = tpu.memref_slice %arg2[%arg0, %dma_wait3A_91, %dma_wait3A_92] : memref<2x10240x128xf32, #tpu.memory_space<hbm>> -> memref<1x10240x128xf32, #tpu.memory_space<hbm>>
      %dma_wait3A_94 = tpu.memref_squeeze %dma_wait3A_93 : memref<1x10240x128xf32, #tpu.memory_space<hbm>> -> memref<10240x128xf32, #tpu.memory_space<hbm>>
      %dma_wait3A_95 = arith.constant 0 : i32
      %dma_wait3A_96 = arith.constant 0 : i32
      %dma_wait3A_97 = tpu.memref_slice %dma_wait3A_94[%dma_wait3A_95, %dma_wait3A_96] : memref<10240x128xf32, #tpu.memory_space<hbm>> -> memref<10240x128xf32, #tpu.memory_space<hbm>>
      tpu.wait_indirect_dma semaphore(%arg7 : memref<!tpu.dma_semaphore, #tpu.memory_space<semaphore_mem>>) src(%dma_wait3A_97 : memref<10240x128xf32, #tpu.memory_space<hbm>>) dst(%dma_wait3A_87 : memref<128x128xf32, #tpu.memory_space<vmem>>)
      %dma_wait3A_98 = arith.constant 2 : i32
      %dma_wait3A_99 = arith.constant 256 : i32
      %dma_wait3A_100 = arith.constant 0 : i32
      %dma_wait3A_101 = tpu.memref_slice %arg5[%dma_wait3A_99, %dma_wait3A_100] : memref<512x128xf32, #tpu.memory_space<vmem>> -> memref<128x128xf32, #tpu.memory_space<vmem>>
      %dma_wait3A_102 = arith.constant 0 : i32
      %dma_wait3A_103 = tpu.memref_slice %arg6[%dma_wait3A_98, %dma_wait3A_102] : memref<4x128xi32, #tpu.memory_space<vmem>> -> memref<1x128xi32, #tpu.memory_space<vmem>>
      %dma_wait3A_104 = tpu.memref_squeeze %dma_wait3A_103 : memref<1x128xi32, #tpu.memory_space<vmem>> -> memref<128xi32, #tpu.memory_space<vmem>>
      %dma_wait3A_105 = arith.constant 0 : i32
      %dma_wait3A_106 = arith.constant 0 : i32
      %dma_wait3A_107 = tpu.memref_slice %arg2[%arg0, %dma_wait3A_105, %dma_wait3A_106] : memref<2x10240x128xf32, #tpu.memory_space<hbm>> -> memref<1x10240x128xf32, #tpu.memory_space<hbm>>
      %dma_wait3A_108 = tpu.memref_squeeze %dma_wait3A_107 : memref<1x10240x128xf32, #tpu.memory_space<hbm>> -> memref<10240x128xf32, #tpu.memory_space<hbm>>
      %dma_wait3A_109 = arith.constant 0 : i32
      %dma_wait3A_110 = arith.constant 0 : i32
      %dma_wait3A_111 = tpu.memref_slice %dma_wait3A_108[%dma_wait3A_109, %dma_wait3A_110] : memref<10240x128xf32, #tpu.memory_space<hbm>> -> memref<10240x128xf32, #tpu.memory_space<hbm>>
      tpu.wait_indirect_dma semaphore(%arg7 : memref<!tpu.dma_semaphore, #tpu.memory_space<semaphore_mem>>) src(%dma_wait3A_111 : memref<10240x128xf32, #tpu.memory_space<hbm>>) dst(%dma_wait3A_101 : memref<128x128xf32, #tpu.memory_space<vmem>>)
      %dma_wait3A_112 = arith.constant 3 : i32
      %dma_wait3A_113 = arith.constant 384 : i32
      %dma_wait3A_114 = arith.constant 0 : i32
      %dma_wait3A_115 = tpu.memref_slice %arg5[%dma_wait3A_113, %dma_wait3A_114] : memref<512x128xf32, #tpu.memory_space<vmem>> -> memref<128x128xf32, #tpu.memory_space<vmem>>
      %dma_wait3A_116 = arith.constant 0 : i32
      %dma_wait3A_117 = tpu.memref_slice %arg6[%dma_wait3A_112, %dma_wait3A_116] : memref<4x128xi32, #tpu.memory_space<vmem>> -> memref<1x128xi32, #tpu.memory_space<vmem>>
      %dma_wait3A_118 = tpu.memref_squeeze %dma_wait3A_117 : memref<1x128xi32, #tpu.memory_space<vmem>> -> memref<128xi32, #tpu.memory_space<vmem>>
      %dma_wait3A_119 = arith.constant 0 : i32
      %dma_wait3A_120 = arith.constant 0 : i32
      %dma_wait3A_121 = tpu.memref_slice %arg2[%arg0, %dma_wait3A_119, %dma_wait3A_120] : memref<2x10240x128xf32, #tpu.memory_space<hbm>> -> memref<1x10240x128xf32, #tpu.memory_space<hbm>>
      %dma_wait3A_122 = tpu.memref_squeeze %dma_wait3A_121 : memref<1x10240x128xf32, #tpu.memory_space<hbm>> -> memref<10240x128xf32, #tpu.memory_space<hbm>>
      %dma_wait3A_123 = arith.constant 0 : i32
      %dma_wait3A_124 = arith.constant 0 : i32
      %dma_wait3A_125 = tpu.memref_slice %dma_wait3A_122[%dma_wait3A_123, %dma_wait3A_124] : memref<10240x128xf32, #tpu.memory_space<hbm>> -> memref<10240x128xf32, #tpu.memory_space<hbm>>
      tpu.wait_indirect_dma semaphore(%arg7 : memref<!tpu.dma_semaphore, #tpu.memory_space<semaphore_mem>>) src(%dma_wait3A_125 : memref<10240x128xf32, #tpu.memory_space<hbm>>) dst(%dma_wait3A_115 : memref<128x128xf32, #tpu.memory_space<vmem>>)
      %dma_start3A_126 = arith.constant 0 : i32
      %dma_start3A_127 = arith.constant 0 : i32
      %dma_start3A_128 = arith.constant 0 : i32
      %dma_start3A_129 = tpu.memref_slice %arg5[%dma_start3A_127, %dma_start3A_128] : memref<512x128xf32, #tpu.memory_space<vmem>> -> memref<128x128xf32, #tpu.memory_space<vmem>>
      %dma_start3A_130 = arith.constant 0 : i32
      %dma_start3A_131 = arith.constant 0 : i32
      %dma_start3A_132 = arith.constant 0 : i32
      %dma_start3A_133 = arith.constant 0 : i32
      %dma_start3A_134 = tpu.memref_slice %arg4[%arg0, %dma_start3A_130, %dma_start3A_131, %dma_start3A_132, %dma_start3A_133] : memref<2x625x4x128x128xf32, #tpu.memory_space<hbm>> -> memref<1x625x4x128x128xf32, #tpu.memory_space<hbm>>
      %dma_start3A_135 = tpu.memref_squeeze %dma_start3A_134 : memref<1x625x4x128x128xf32, #tpu.memory_space<hbm>> -> memref<625x4x128x128xf32, #tpu.memory_space<hbm>>
      %dma_start3A_136 = arith.constant 0 : i32
      %dma_start3A_137 = arith.constant 0 : i32
      %dma_start3A_138 = arith.constant 0 : i32
      %dma_start3A_139 = tpu.memref_slice %dma_start3A_135[%add3A_15, %dma_start3A_136, %dma_start3A_137, %dma_start3A_138] : memref<625x4x128x128xf32, #tpu.memory_space<hbm>> -> memref<1x4x128x128xf32, #tpu.memory_space<hbm>>
      %dma_start3A_140 = tpu.memref_squeeze %dma_start3A_139 : memref<1x4x128x128xf32, #tpu.memory_space<hbm>> -> memref<4x128x128xf32, #tpu.memory_space<hbm>>
      %dma_start3A_141 = arith.constant 0 : i32
      %dma_start3A_142 = arith.constant 0 : i32
      %dma_start3A_143 = tpu.memref_slice %dma_start3A_140[%dma_start3A_126, %dma_start3A_141, %dma_start3A_142] : memref<4x128x128xf32, #tpu.memory_space<hbm>> -> memref<1x128x128xf32, #tpu.memory_space<hbm>>
      %dma_start3A_144 = tpu.memref_squeeze %dma_start3A_143 : memref<1x128x128xf32, #tpu.memory_space<hbm>> -> memref<128x128xf32, #tpu.memory_space<hbm>>
      %dma_start3A_145 = arith.constant 0 : i32
      %dma_start3A_146 = arith.constant 0 : i32
      %dma_start3A_147 = arith.constant 0 : i32
      %dma_start3A_148 = arith.constant 0 : i32
      %dma_start3A_149 = tpu.memref_slice %arg4[%arg0, %dma_start3A_145, %dma_start3A_146, %dma_start3A_147, %dma_start3A_148] : memref<2x625x4x128x128xf32, #tpu.memory_space<hbm>> -> memref<1x625x4x128x128xf32, #tpu.memory_space<hbm>>
      %dma_start3A_150 = tpu.memref_squeeze %dma_start3A_149 : memref<1x625x4x128x128xf32, #tpu.memory_space<hbm>> -> memref<625x4x128x128xf32, #tpu.memory_space<hbm>>
      %dma_start3A_151 = arith.constant 0 : i32
      %dma_start3A_152 = arith.constant 0 : i32
      %dma_start3A_153 = arith.constant 0 : i32
      %dma_start3A_154 = tpu.memref_slice %dma_start3A_150[%add3A_15, %dma_start3A_151, %dma_start3A_152, %dma_start3A_153] : memref<625x4x128x128xf32, #tpu.memory_space<hbm>> -> memref<1x4x128x128xf32, #tpu.memory_space<hbm>>
      %dma_start3A_155 = tpu.memref_squeeze %dma_start3A_154 : memref<1x4x128x128xf32, #tpu.memory_space<hbm>> -> memref<4x128x128xf32, #tpu.memory_space<hbm>>
      %dma_start3A_156 = arith.constant 0 : i32
      %dma_start3A_157 = arith.constant 0 : i32
      %dma_start3A_158 = tpu.memref_slice %dma_start3A_155[%dma_start3A_126, %dma_start3A_156, %dma_start3A_157] : memref<4x128x128xf32, #tpu.memory_space<hbm>> -> memref<1x128x128xf32, #tpu.memory_space<hbm>>
      %dma_start3A_159 = tpu.memref_squeeze %dma_start3A_158 : memref<1x128x128xf32, #tpu.memory_space<hbm>> -> memref<128x128xf32, #tpu.memory_space<hbm>>
      %dma_start3A_160 = arith.constant 0 : i32
      %dma_start3A_161 = arith.constant 0 : i32
      %dma_start3A_162 = tpu.memref_slice %arg5[%dma_start3A_160, %dma_start3A_161] : memref<512x128xf32, #tpu.memory_space<vmem>> -> memref<128x128xf32, #tpu.memory_space<vmem>>
      tpu.enqueue_dma source(%dma_start3A_162 : memref<128x128xf32, #tpu.memory_space<vmem>>) target(%dma_start3A_159 : memref<128x128xf32, #tpu.memory_space<hbm>>) target_semaphore(%arg7 : memref<!tpu.dma_semaphore, #tpu.memory_space<semaphore_mem>>)
      %dma_start3A_163 = arith.constant 1 : i32
      %dma_start3A_164 = arith.constant 128 : i32
      %dma_start3A_165 = arith.constant 0 : i32
      %dma_start3A_166 = tpu.memref_slice %arg5[%dma_start3A_164, %dma_start3A_165] : memref<512x128xf32, #tpu.memory_space<vmem>> -> memref<128x128xf32, #tpu.memory_space<vmem>>
      %dma_start3A_167 = arith.constant 0 : i32
      %dma_start3A_168 = arith.constant 0 : i32
      %dma_start3A_169 = arith.constant 0 : i32
      %dma_start3A_170 = arith.constant 0 : i32
      %dma_start3A_171 = tpu.memref_slice %arg4[%arg0, %dma_start3A_167, %dma_start3A_168, %dma_start3A_169, %dma_start3A_170] : memref<2x625x4x128x128xf32, #tpu.memory_space<hbm>> -> memref<1x625x4x128x128xf32, #tpu.memory_space<hbm>>
      %dma_start3A_172 = tpu.memref_squeeze %dma_start3A_171 : memref<1x625x4x128x128xf32, #tpu.memory_space<hbm>> -> memref<625x4x128x128xf32, #tpu.memory_space<hbm>>
      %dma_start3A_173 = arith.constant 0 : i32
      %dma_start3A_174 = arith.constant 0 : i32
      %dma_start3A_175 = arith.constant 0 : i32
      %dma_start3A_176 = tpu.memref_slice %dma_start3A_172[%add3A_15, %dma_start3A_173, %dma_start3A_174, %dma_start3A_175] : memref<625x4x128x128xf32, #tpu.memory_space<hbm>> -> memref<1x4x128x128xf32, #tpu.memory_space<hbm>>
      %dma_start3A_177 = tpu.memref_squeeze %dma_start3A_176 : memref<1x4x128x128xf32, #tpu.memory_space<hbm>> -> memref<4x128x128xf32, #tpu.memory_space<hbm>>
      %dma_start3A_178 = arith.constant 0 : i32
      %dma_start3A_179 = arith.constant 0 : i32
      %dma_start3A_180 = tpu.memref_slice %dma_start3A_177[%dma_start3A_163, %dma_start3A_178, %dma_start3A_179] : memref<4x128x128xf32, #tpu.memory_space<hbm>> -> memref<1x128x128xf32, #tpu.memory_space<hbm>>
      %dma_start3A_181 = tpu.memref_squeeze %dma_start3A_180 : memref<1x128x128xf32, #tpu.memory_space<hbm>> -> memref<128x128xf32, #tpu.memory_space<hbm>>
      %dma_start3A_182 = arith.constant 0 : i32
      %dma_start3A_183 = arith.constant 0 : i32
      %dma_start3A_184 = arith.constant 0 : i32
      %dma_start3A_185 = arith.constant 0 : i32
      %dma_start3A_186 = tpu.memref_slice %arg4[%arg0, %dma_start3A_182, %dma_start3A_183, %dma_start3A_184, %dma_start3A_185] : memref<2x625x4x128x128xf32, #tpu.memory_space<hbm>> -> memref<1x625x4x128x128xf32, #tpu.memory_space<hbm>>
      %dma_start3A_187 = tpu.memref_squeeze %dma_start3A_186 : memref<1x625x4x128x128xf32, #tpu.memory_space<hbm>> -> memref<625x4x128x128xf32, #tpu.memory_space<hbm>>
      %dma_start3A_188 = arith.constant 0 : i32
      %dma_start3A_189 = arith.constant 0 : i32
      %dma_start3A_190 = arith.constant 0 : i32
      %dma_start3A_191 = tpu.memref_slice %dma_start3A_187[%add3A_15, %dma_start3A_188, %dma_start3A_189, %dma_start3A_190] : memref<625x4x128x128xf32, #tpu.memory_space<hbm>> -> memref<1x4x128x128xf32, #tpu.memory_space<hbm>>
      %dma_start3A_192 = tpu.memref_squeeze %dma_start3A_191 : memref<1x4x128x128xf32, #tpu.memory_space<hbm>> -> memref<4x128x128xf32, #tpu.memory_space<hbm>>
      %dma_start3A_193 = arith.constant 0 : i32
      %dma_start3A_194 = arith.constant 0 : i32
      %dma_start3A_195 = tpu.memref_slice %dma_start3A_192[%dma_start3A_163, %dma_start3A_193, %dma_start3A_194] : memref<4x128x128xf32, #tpu.memory_space<hbm>> -> memref<1x128x128xf32, #tpu.memory_space<hbm>>
      %dma_start3A_196 = tpu.memref_squeeze %dma_start3A_195 : memref<1x128x128xf32, #tpu.memory_space<hbm>> -> memref<128x128xf32, #tpu.memory_space<hbm>>
      %dma_start3A_197 = arith.constant 128 : i32
      %dma_start3A_198 = arith.constant 0 : i32
      %dma_start3A_199 = tpu.memref_slice %arg5[%dma_start3A_197, %dma_start3A_198] : memref<512x128xf32, #tpu.memory_space<vmem>> -> memref<128x128xf32, #tpu.memory_space<vmem>>
      tpu.enqueue_dma source(%dma_start3A_199 : memref<128x128xf32, #tpu.memory_space<vmem>>) target(%dma_start3A_196 : memref<128x128xf32, #tpu.memory_space<hbm>>) target_semaphore(%arg7 : memref<!tpu.dma_semaphore, #tpu.memory_space<semaphore_mem>>)
      %dma_start3A_200 = arith.constant 2 : i32
      %dma_start3A_201 = arith.constant 256 : i32
      %dma_start3A_202 = arith.constant 0 : i32
      %dma_start3A_203 = tpu.memref_slice %arg5[%dma_start3A_201, %dma_start3A_202] : memref<512x128xf32, #tpu.memory_space<vmem>> -> memref<128x128xf32, #tpu.memory_space<vmem>>
      %dma_start3A_204 = arith.constant 0 : i32
      %dma_start3A_205 = arith.constant 0 : i32
      %dma_start3A_206 = arith.constant 0 : i32
      %dma_start3A_207 = arith.constant 0 : i32
      %dma_start3A_208 = tpu.memref_slice %arg4[%arg0, %dma_start3A_204, %dma_start3A_205, %dma_start3A_206, %dma_start3A_207] : memref<2x625x4x128x128xf32, #tpu.memory_space<hbm>> -> memref<1x625x4x128x128xf32, #tpu.memory_space<hbm>>
      %dma_start3A_209 = tpu.memref_squeeze %dma_start3A_208 : memref<1x625x4x128x128xf32, #tpu.memory_space<hbm>> -> memref<625x4x128x128xf32, #tpu.memory_space<hbm>>
      %dma_start3A_210 = arith.constant 0 : i32
      %dma_start3A_211 = arith.constant 0 : i32
      %dma_start3A_212 = arith.constant 0 : i32
      %dma_start3A_213 = tpu.memref_slice %dma_start3A_209[%add3A_15, %dma_start3A_210, %dma_start3A_211, %dma_start3A_212] : memref<625x4x128x128xf32, #tpu.memory_space<hbm>> -> memref<1x4x128x128xf32, #tpu.memory_space<hbm>>
      %dma_start3A_214 = tpu.memref_squeeze %dma_start3A_213 : memref<1x4x128x128xf32, #tpu.memory_space<hbm>> -> memref<4x128x128xf32, #tpu.memory_space<hbm>>
      %dma_start3A_215 = arith.constant 0 : i32
      %dma_start3A_216 = arith.constant 0 : i32
      %dma_start3A_217 = tpu.memref_slice %dma_start3A_214[%dma_start3A_200, %dma_start3A_215, %dma_start3A_216] : memref<4x128x128xf32, #tpu.memory_space<hbm>> -> memref<1x128x128xf32, #tpu.memory_space<hbm>>
      %dma_start3A_218 = tpu.memref_squeeze %dma_start3A_217 : memref<1x128x128xf32, #tpu.memory_space<hbm>> -> memref<128x128xf32, #tpu.memory_space<hbm>>
      %dma_start3A_219 = arith.constant 0 : i32
      %dma_start3A_220 = arith.constant 0 : i32
      %dma_start3A_221 = arith.constant 0 : i32
      %dma_start3A_222 = arith.constant 0 : i32
      %dma_start3A_223 = tpu.memref_slice %arg4[%arg0, %dma_start3A_219, %dma_start3A_220, %dma_start3A_221, %dma_start3A_222] : memref<2x625x4x128x128xf32, #tpu.memory_space<hbm>> -> memref<1x625x4x128x128xf32, #tpu.memory_space<hbm>>
      %dma_start3A_224 = tpu.memref_squeeze %dma_start3A_223 : memref<1x625x4x128x128xf32, #tpu.memory_space<hbm>> -> memref<625x4x128x128xf32, #tpu.memory_space<hbm>>
      %dma_start3A_225 = arith.constant 0 : i32
      %dma_start3A_226 = arith.constant 0 : i32
      %dma_start3A_227 = arith.constant 0 : i32
      %dma_start3A_228 = tpu.memref_slice %dma_start3A_224[%add3A_15, %dma_start3A_225, %dma_start3A_226, %dma_start3A_227] : memref<625x4x128x128xf32, #tpu.memory_space<hbm>> -> memref<1x4x128x128xf32, #tpu.memory_space<hbm>>
      %dma_start3A_229 = tpu.memref_squeeze %dma_start3A_228 : memref<1x4x128x128xf32, #tpu.memory_space<hbm>> -> memref<4x128x128xf32, #tpu.memory_space<hbm>>
      %dma_start3A_230 = arith.constant 0 : i32
      %dma_start3A_231 = arith.constant 0 : i32
      %dma_start3A_232 = tpu.memref_slice %dma_start3A_229[%dma_start3A_200, %dma_start3A_230, %dma_start3A_231] : memref<4x128x128xf32, #tpu.memory_space<hbm>> -> memref<1x128x128xf32, #tpu.memory_space<hbm>>
      %dma_start3A_233 = tpu.memref_squeeze %dma_start3A_232 : memref<1x128x128xf32, #tpu.memory_space<hbm>> -> memref<128x128xf32, #tpu.memory_space<hbm>>
      %dma_start3A_234 = arith.constant 256 : i32
      %dma_start3A_235 = arith.constant 0 : i32
      %dma_start3A_236 = tpu.memref_slice %arg5[%dma_start3A_234, %dma_start3A_235] : memref<512x128xf32, #tpu.memory_space<vmem>> -> memref<128x128xf32, #tpu.memory_space<vmem>>
      tpu.enqueue_dma source(%dma_start3A_236 : memref<128x128xf32, #tpu.memory_space<vmem>>) target(%dma_start3A_233 : memref<128x128xf32, #tpu.memory_space<hbm>>) target_semaphore(%arg7 : memref<!tpu.dma_semaphore, #tpu.memory_space<semaphore_mem>>)
      %dma_start3A_237 = arith.constant 3 : i32
      %dma_start3A_238 = arith.constant 384 : i32
      %dma_start3A_239 = arith.constant 0 : i32
      %dma_start3A_240 = tpu.memref_slice %arg5[%dma_start3A_238, %dma_start3A_239] : memref<512x128xf32, #tpu.memory_space<vmem>> -> memref<128x128xf32, #tpu.memory_space<vmem>>
      %dma_start3A_241 = arith.constant 0 : i32
      %dma_start3A_242 = arith.constant 0 : i32
      %dma_start3A_243 = arith.constant 0 : i32
      %dma_start3A_244 = arith.constant 0 : i32
      %dma_start3A_245 = tpu.memref_slice %arg4[%arg0, %dma_start3A_241, %dma_start3A_242, %dma_start3A_243, %dma_start3A_244] : memref<2x625x4x128x128xf32, #tpu.memory_space<hbm>> -> memref<1x625x4x128x128xf32, #tpu.memory_space<hbm>>
      %dma_start3A_246 = tpu.memref_squeeze %dma_start3A_245 : memref<1x625x4x128x128xf32, #tpu.memory_space<hbm>> -> memref<625x4x128x128xf32, #tpu.memory_space<hbm>>
      %dma_start3A_247 = arith.constant 0 : i32
      %dma_start3A_248 = arith.constant 0 : i32
      %dma_start3A_249 = arith.constant 0 : i32
      %dma_start3A_250 = tpu.memref_slice %dma_start3A_246[%add3A_15, %dma_start3A_247, %dma_start3A_248, %dma_start3A_249] : memref<625x4x128x128xf32, #tpu.memory_space<hbm>> -> memref<1x4x128x128xf32, #tpu.memory_space<hbm>>
      %dma_start3A_251 = tpu.memref_squeeze %dma_start3A_250 : memref<1x4x128x128xf32, #tpu.memory_space<hbm>> -> memref<4x128x128xf32, #tpu.memory_space<hbm>>
      %dma_start3A_252 = arith.constant 0 : i32
      %dma_start3A_253 = arith.constant 0 : i32
      %dma_start3A_254 = tpu.memref_slice %dma_start3A_251[%dma_start3A_237, %dma_start3A_252, %dma_start3A_253] : memref<4x128x128xf32, #tpu.memory_space<hbm>> -> memref<1x128x128xf32, #tpu.memory_space<hbm>>
      %dma_start3A_255 = tpu.memref_squeeze %dma_start3A_254 : memref<1x128x128xf32, #tpu.memory_space<hbm>> -> memref<128x128xf32, #tpu.memory_space<hbm>>
      %dma_start3A_256 = arith.constant 0 : i32
      %dma_start3A_257 = arith.constant 0 : i32
      %dma_start3A_258 = arith.constant 0 : i32
      %dma_start3A_259 = arith.constant 0 : i32
      %dma_start3A_260 = tpu.memref_slice %arg4[%arg0, %dma_start3A_256, %dma_start3A_257, %dma_start3A_258, %dma_start3A_259] : memref<2x625x4x128x128xf32, #tpu.memory_space<hbm>> -> memref<1x625x4x128x128xf32, #tpu.memory_space<hbm>>
      %dma_start3A_261 = tpu.memref_squeeze %dma_start3A_260 : memref<1x625x4x128x128xf32, #tpu.memory_space<hbm>> -> memref<625x4x128x128xf32, #tpu.memory_space<hbm>>
      %dma_start3A_262 = arith.constant 0 : i32
      %dma_start3A_263 = arith.constant 0 : i32
      %dma_start3A_264 = arith.constant 0 : i32
      %dma_start3A_265 = tpu.memref_slice %dma_start3A_261[%add3A_15, %dma_start3A_262, %dma_start3A_263, %dma_start3A_264] : memref<625x4x128x128xf32, #tpu.memory_space<hbm>> -> memref<1x4x128x128xf32, #tpu.memory_space<hbm>>
      %dma_start3A_266 = tpu.memref_squeeze %dma_start3A_265 : memref<1x4x128x128xf32, #tpu.memory_space<hbm>> -> memref<4x128x128xf32, #tpu.memory_space<hbm>>
      %dma_start3A_267 = arith.constant 0 : i32
      %dma_start3A_268 = arith.constant 0 : i32
      %dma_start3A_269 = tpu.memref_slice %dma_start3A_266[%dma_start3A_237, %dma_start3A_267, %dma_start3A_268] : memref<4x128x128xf32, #tpu.memory_space<hbm>> -> memref<1x128x128xf32, #tpu.memory_space<hbm>>
      %dma_start3A_270 = tpu.memref_squeeze %dma_start3A_269 : memref<1x128x128xf32, #tpu.memory_space<hbm>> -> memref<128x128xf32, #tpu.memory_space<hbm>>
      %dma_start3A_271 = arith.constant 384 : i32
      %dma_start3A_272 = arith.constant 0 : i32
      %dma_start3A_273 = tpu.memref_slice %arg5[%dma_start3A_271, %dma_start3A_272] : memref<512x128xf32, #tpu.memory_space<vmem>> -> memref<128x128xf32, #tpu.memory_space<vmem>>
      tpu.enqueue_dma source(%dma_start3A_273 : memref<128x128xf32, #tpu.memory_space<vmem>>) target(%dma_start3A_270 : memref<128x128xf32, #tpu.memory_space<hbm>>) target_semaphore(%arg7 : memref<!tpu.dma_semaphore, #tpu.memory_space<semaphore_mem>>)
      %dma_wait3A_274 = arith.constant 0 : i32
      %dma_wait3A_275 = arith.constant 0 : i32
      %dma_wait3A_276 = arith.constant 0 : i32
      %dma_wait3A_277 = tpu.memref_slice %arg5[%dma_wait3A_275, %dma_wait3A_276] : memref<512x128xf32, #tpu.memory_space<vmem>> -> memref<128x128xf32, #tpu.memory_space<vmem>>
      %dma_wait3A_278 = arith.constant 0 : i32
      %dma_wait3A_279 = arith.constant 0 : i32
      %dma_wait3A_280 = arith.constant 0 : i32
      %dma_wait3A_281 = arith.constant 0 : i32
      %dma_wait3A_282 = tpu.memref_slice %arg4[%arg0, %dma_wait3A_278, %dma_wait3A_279, %dma_wait3A_280, %dma_wait3A_281] : memref<2x625x4x128x128xf32, #tpu.memory_space<hbm>> -> memref<1x625x4x128x128xf32, #tpu.memory_space<hbm>>
      %dma_wait3A_283 = tpu.memref_squeeze %dma_wait3A_282 : memref<1x625x4x128x128xf32, #tpu.memory_space<hbm>> -> memref<625x4x128x128xf32, #tpu.memory_space<hbm>>
      %dma_wait3A_284 = arith.constant 0 : i32
      %dma_wait3A_285 = arith.constant 0 : i32
      %dma_wait3A_286 = arith.constant 0 : i32
      %dma_wait3A_287 = tpu.memref_slice %dma_wait3A_283[%add3A_15, %dma_wait3A_284, %dma_wait3A_285, %dma_wait3A_286] : memref<625x4x128x128xf32, #tpu.memory_space<hbm>> -> memref<1x4x128x128xf32, #tpu.memory_space<hbm>>
      %dma_wait3A_288 = tpu.memref_squeeze %dma_wait3A_287 : memref<1x4x128x128xf32, #tpu.memory_space<hbm>> -> memref<4x128x128xf32, #tpu.memory_space<hbm>>
      %dma_wait3A_289 = arith.constant 0 : i32
      %dma_wait3A_290 = arith.constant 0 : i32
      %dma_wait3A_291 = tpu.memref_slice %dma_wait3A_288[%dma_wait3A_274, %dma_wait3A_289, %dma_wait3A_290] : memref<4x128x128xf32, #tpu.memory_space<hbm>> -> memref<1x128x128xf32, #tpu.memory_space<hbm>>
      %dma_wait3A_292 = tpu.memref_squeeze %dma_wait3A_291 : memref<1x128x128xf32, #tpu.memory_space<hbm>> -> memref<128x128xf32, #tpu.memory_space<hbm>>
      %dma_wait3A_293 = arith.constant 0 : i32
      %dma_wait3A_294 = arith.constant 0 : i32
      %dma_wait3A_295 = arith.constant 0 : i32
      %dma_wait3A_296 = arith.constant 0 : i32
      %dma_wait3A_297 = tpu.memref_slice %arg4[%arg0, %dma_wait3A_293, %dma_wait3A_294, %dma_wait3A_295, %dma_wait3A_296] : memref<2x625x4x128x128xf32, #tpu.memory_space<hbm>> -> memref<1x625x4x128x128xf32, #tpu.memory_space<hbm>>
      %dma_wait3A_298 = tpu.memref_squeeze %dma_wait3A_297 : memref<1x625x4x128x128xf32, #tpu.memory_space<hbm>> -> memref<625x4x128x128xf32, #tpu.memory_space<hbm>>
      %dma_wait3A_299 = arith.constant 0 : i32
      %dma_wait3A_300 = arith.constant 0 : i32
      %dma_wait3A_301 = arith.constant 0 : i32
      %dma_wait3A_302 = tpu.memref_slice %dma_wait3A_298[%add3A_15, %dma_wait3A_299, %dma_wait3A_300, %dma_wait3A_301] : memref<625x4x128x128xf32, #tpu.memory_space<hbm>> -> memref<1x4x128x128xf32, #tpu.memory_space<hbm>>
      %dma_wait3A_303 = tpu.memref_squeeze %dma_wait3A_302 : memref<1x4x128x128xf32, #tpu.memory_space<hbm>> -> memref<4x128x128xf32, #tpu.memory_space<hbm>>
      %dma_wait3A_304 = arith.constant 0 : i32
      %dma_wait3A_305 = arith.constant 0 : i32
      %dma_wait3A_306 = tpu.memref_slice %dma_wait3A_303[%dma_wait3A_274, %dma_wait3A_304, %dma_wait3A_305] : memref<4x128x128xf32, #tpu.memory_space<hbm>> -> memref<1x128x128xf32, #tpu.memory_space<hbm>>
      %dma_wait3A_307 = tpu.memref_squeeze %dma_wait3A_306 : memref<1x128x128xf32, #tpu.memory_space<hbm>> -> memref<128x128xf32, #tpu.memory_space<hbm>>
      %dma_wait3A_308 = arith.constant 0 : i32
      %dma_wait3A_309 = arith.constant 0 : i32
      %dma_wait3A_310 = tpu.memref_slice %arg5[%dma_wait3A_308, %dma_wait3A_309] : memref<512x128xf32, #tpu.memory_space<vmem>> -> memref<128x128xf32, #tpu.memory_space<vmem>>
      tpu.wait_dma2 semaphore(%arg7 : memref<!tpu.dma_semaphore, #tpu.memory_space<semaphore_mem>>) src(%dma_wait3A_310 : memref<128x128xf32, #tpu.memory_space<vmem>>) dst(%dma_wait3A_307 : memref<128x128xf32, #tpu.memory_space<hbm>>)
      %dma_wait3A_311 = arith.constant 1 : i32
      %dma_wait3A_312 = arith.constant 128 : i32
      %dma_wait3A_313 = arith.constant 0 : i32
      %dma_wait3A_314 = tpu.memref_slice %arg5[%dma_wait3A_312, %dma_wait3A_313] : memref<512x128xf32, #tpu.memory_space<vmem>> -> memref<128x128xf32, #tpu.memory_space<vmem>>
      %dma_wait3A_315 = arith.constant 0 : i32
      %dma_wait3A_316 = arith.constant 0 : i32
      %dma_wait3A_317 = arith.constant 0 : i32
      %dma_wait3A_318 = arith.constant 0 : i32
      %dma_wait3A_319 = tpu.memref_slice %arg4[%arg0, %dma_wait3A_315, %dma_wait3A_316, %dma_wait3A_317, %dma_wait3A_318] : memref<2x625x4x128x128xf32, #tpu.memory_space<hbm>> -> memref<1x625x4x128x128xf32, #tpu.memory_space<hbm>>
      %dma_wait3A_320 = tpu.memref_squeeze %dma_wait3A_319 : memref<1x625x4x128x128xf32, #tpu.memory_space<hbm>> -> memref<625x4x128x128xf32, #tpu.memory_space<hbm>>
      %dma_wait3A_321 = arith.constant 0 : i32
      %dma_wait3A_322 = arith.constant 0 : i32
      %dma_wait3A_323 = arith.constant 0 : i32
      %dma_wait3A_324 = tpu.memref_slice %dma_wait3A_320[%add3A_15, %dma_wait3A_321, %dma_wait3A_322, %dma_wait3A_323] : memref<625x4x128x128xf32, #tpu.memory_space<hbm>> -> memref<1x4x128x128xf32, #tpu.memory_space<hbm>>
      %dma_wait3A_325 = tpu.memref_squeeze %dma_wait3A_324 : memref<1x4x128x128xf32, #tpu.memory_space<hbm>> -> memref<4x128x128xf32, #tpu.memory_space<hbm>>
      %dma_wait3A_326 = arith.constant 0 : i32
      %dma_wait3A_327 = arith.constant 0 : i32
      %dma_wait3A_328 = tpu.memref_slice %dma_wait3A_325[%dma_wait3A_311, %dma_wait3A_326, %dma_wait3A_327] : memref<4x128x128xf32, #tpu.memory_space<hbm>> -> memref<1x128x128xf32, #tpu.memory_space<hbm>>
      %dma_wait3A_329 = tpu.memref_squeeze %dma_wait3A_328 : memref<1x128x128xf32, #tpu.memory_space<hbm>> -> memref<128x128xf32, #tpu.memory_space<hbm>>
      %dma_wait3A_330 = arith.constant 0 : i32
      %dma_wait3A_331 = arith.constant 0 : i32
      %dma_wait3A_332 = arith.constant 0 : i32
      %dma_wait3A_333 = arith.constant 0 : i32
      %dma_wait3A_334 = tpu.memref_slice %arg4[%arg0, %dma_wait3A_330, %dma_wait3A_331, %dma_wait3A_332, %dma_wait3A_333] : memref<2x625x4x128x128xf32, #tpu.memory_space<hbm>> -> memref<1x625x4x128x128xf32, #tpu.memory_space<hbm>>
      %dma_wait3A_335 = tpu.memref_squeeze %dma_wait3A_334 : memref<1x625x4x128x128xf32, #tpu.memory_space<hbm>> -> memref<625x4x128x128xf32, #tpu.memory_space<hbm>>
      %dma_wait3A_336 = arith.constant 0 : i32
      %dma_wait3A_337 = arith.constant 0 : i32
      %dma_wait3A_338 = arith.constant 0 : i32
      %dma_wait3A_339 = tpu.memref_slice %dma_wait3A_335[%add3A_15, %dma_wait3A_336, %dma_wait3A_337, %dma_wait3A_338] : memref<625x4x128x128xf32, #tpu.memory_space<hbm>> -> memref<1x4x128x128xf32, #tpu.memory_space<hbm>>
      %dma_wait3A_340 = tpu.memref_squeeze %dma_wait3A_339 : memref<1x4x128x128xf32, #tpu.memory_space<hbm>> -> memref<4x128x128xf32, #tpu.memory_space<hbm>>
      %dma_wait3A_341 = arith.constant 0 : i32
      %dma_wait3A_342 = arith.constant 0 : i32
      %dma_wait3A_343 = tpu.memref_slice %dma_wait3A_340[%dma_wait3A_311, %dma_wait3A_341, %dma_wait3A_342] : memref<4x128x128xf32, #tpu.memory_space<hbm>> -> memref<1x128x128xf32, #tpu.memory_space<hbm>>
      %dma_wait3A_344 = tpu.memref_squeeze %dma_wait3A_343 : memref<1x128x128xf32, #tpu.memory_space<hbm>> -> memref<128x128xf32, #tpu.memory_space<hbm>>
      %dma_wait3A_345 = arith.constant 128 : i32
      %dma_wait3A_346 = arith.constant 0 : i32
      %dma_wait3A_347 = tpu.memref_slice %arg5[%dma_wait3A_345, %dma_wait3A_346] : memref<512x128xf32, #tpu.memory_space<vmem>> -> memref<128x128xf32, #tpu.memory_space<vmem>>
      tpu.wait_dma2 semaphore(%arg7 : memref<!tpu.dma_semaphore, #tpu.memory_space<semaphore_mem>>) src(%dma_wait3A_347 : memref<128x128xf32, #tpu.memory_space<vmem>>) dst(%dma_wait3A_344 : memref<128x128xf32, #tpu.memory_space<hbm>>)
      %dma_wait3A_348 = arith.constant 2 : i32
      %dma_wait3A_349 = arith.constant 256 : i32
      %dma_wait3A_350 = arith.constant 0 : i32
      %dma_wait3A_351 = tpu.memref_slice %arg5[%dma_wait3A_349, %dma_wait3A_350] : memref<512x128xf32, #tpu.memory_space<vmem>> -> memref<128x128xf32, #tpu.memory_space<vmem>>
      %dma_wait3A_352 = arith.constant 0 : i32
      %dma_wait3A_353 = arith.constant 0 : i32
      %dma_wait3A_354 = arith.constant 0 : i32
      %dma_wait3A_355 = arith.constant 0 : i32
      %dma_wait3A_356 = tpu.memref_slice %arg4[%arg0, %dma_wait3A_352, %dma_wait3A_353, %dma_wait3A_354, %dma_wait3A_355] : memref<2x625x4x128x128xf32, #tpu.memory_space<hbm>> -> memref<1x625x4x128x128xf32, #tpu.memory_space<hbm>>
      %dma_wait3A_357 = tpu.memref_squeeze %dma_wait3A_356 : memref<1x625x4x128x128xf32, #tpu.memory_space<hbm>> -> memref<625x4x128x128xf32, #tpu.memory_space<hbm>>
      %dma_wait3A_358 = arith.constant 0 : i32
      %dma_wait3A_359 = arith.constant 0 : i32
      %dma_wait3A_360 = arith.constant 0 : i32
      %dma_wait3A_361 = tpu.memref_slice %dma_wait3A_357[%add3A_15, %dma_wait3A_358, %dma_wait3A_359, %dma_wait3A_360] : memref<625x4x128x128xf32, #tpu.memory_space<hbm>> -> memref<1x4x128x128xf32, #tpu.memory_space<hbm>>
      %dma_wait3A_362 = tpu.memref_squeeze %dma_wait3A_361 : memref<1x4x128x128xf32, #tpu.memory_space<hbm>> -> memref<4x128x128xf32, #tpu.memory_space<hbm>>
      %dma_wait3A_363 = arith.constant 0 : i32
      %dma_wait3A_364 = arith.constant 0 : i32
      %dma_wait3A_365 = tpu.memref_slice %dma_wait3A_362[%dma_wait3A_348, %dma_wait3A_363, %dma_wait3A_364] : memref<4x128x128xf32, #tpu.memory_space<hbm>> -> memref<1x128x128xf32, #tpu.memory_space<hbm>>
      %dma_wait3A_366 = tpu.memref_squeeze %dma_wait3A_365 : memref<1x128x128xf32, #tpu.memory_space<hbm>> -> memref<128x128xf32, #tpu.memory_space<hbm>>
      %dma_wait3A_367 = arith.constant 0 : i32
      %dma_wait3A_368 = arith.constant 0 : i32
      %dma_wait3A_369 = arith.constant 0 : i32
      %dma_wait3A_370 = arith.constant 0 : i32
      %dma_wait3A_371 = tpu.memref_slice %arg4[%arg0, %dma_wait3A_367, %dma_wait3A_368, %dma_wait3A_369, %dma_wait3A_370] : memref<2x625x4x128x128xf32, #tpu.memory_space<hbm>> -> memref<1x625x4x128x128xf32, #tpu.memory_space<hbm>>
      %dma_wait3A_372 = tpu.memref_squeeze %dma_wait3A_371 : memref<1x625x4x128x128xf32, #tpu.memory_space<hbm>> -> memref<625x4x128x128xf32, #tpu.memory_space<hbm>>
      %dma_wait3A_373 = arith.constant 0 : i32
      %dma_wait3A_374 = arith.constant 0 : i32
      %dma_wait3A_375 = arith.constant 0 : i32
      %dma_wait3A_376 = tpu.memref_slice %dma_wait3A_372[%add3A_15, %dma_wait3A_373, %dma_wait3A_374, %dma_wait3A_375] : memref<625x4x128x128xf32, #tpu.memory_space<hbm>> -> memref<1x4x128x128xf32, #tpu.memory_space<hbm>>
      %dma_wait3A_377 = tpu.memref_squeeze %dma_wait3A_376 : memref<1x4x128x128xf32, #tpu.memory_space<hbm>> -> memref<4x128x128xf32, #tpu.memory_space<hbm>>
      %dma_wait3A_378 = arith.constant 0 : i32
      %dma_wait3A_379 = arith.constant 0 : i32
      %dma_wait3A_380 = tpu.memref_slice %dma_wait3A_377[%dma_wait3A_348, %dma_wait3A_378, %dma_wait3A_379] : memref<4x128x128xf32, #tpu.memory_space<hbm>> -> memref<1x128x128xf32, #tpu.memory_space<hbm>>
      %dma_wait3A_381 = tpu.memref_squeeze %dma_wait3A_380 : memref<1x128x128xf32, #tpu.memory_space<hbm>> -> memref<128x128xf32, #tpu.memory_space<hbm>>
      %dma_wait3A_382 = arith.constant 256 : i32
      %dma_wait3A_383 = arith.constant 0 : i32
      %dma_wait3A_384 = tpu.memref_slice %arg5[%dma_wait3A_382, %dma_wait3A_383] : memref<512x128xf32, #tpu.memory_space<vmem>> -> memref<128x128xf32, #tpu.memory_space<vmem>>
      tpu.wait_dma2 semaphore(%arg7 : memref<!tpu.dma_semaphore, #tpu.memory_space<semaphore_mem>>) src(%dma_wait3A_384 : memref<128x128xf32, #tpu.memory_space<vmem>>) dst(%dma_wait3A_381 : memref<128x128xf32, #tpu.memory_space<hbm>>)
      %dma_wait3A_385 = arith.constant 3 : i32
      %dma_wait3A_386 = arith.constant 384 : i32
      %dma_wait3A_387 = arith.constant 0 : i32
      %dma_wait3A_388 = tpu.memref_slice %arg5[%dma_wait3A_386, %dma_wait3A_387] : memref<512x128xf32, #tpu.memory_space<vmem>> -> memref<128x128xf32, #tpu.memory_space<vmem>>
      %dma_wait3A_389 = arith.constant 0 : i32
      %dma_wait3A_390 = arith.constant 0 : i32
      %dma_wait3A_391 = arith.constant 0 : i32
      %dma_wait3A_392 = arith.constant 0 : i32
      %dma_wait3A_393 = tpu.memref_slice %arg4[%arg0, %dma_wait3A_389, %dma_wait3A_390, %dma_wait3A_391, %dma_wait3A_392] : memref<2x625x4x128x128xf32, #tpu.memory_space<hbm>> -> memref<1x625x4x128x128xf32, #tpu.memory_space<hbm>>
      %dma_wait3A_394 = tpu.memref_squeeze %dma_wait3A_393 : memref<1x625x4x128x128xf32, #tpu.memory_space<hbm>> -> memref<625x4x128x128xf32, #tpu.memory_space<hbm>>
      %dma_wait3A_395 = arith.constant 0 : i32
      %dma_wait3A_396 = arith.constant 0 : i32
      %dma_wait3A_397 = arith.constant 0 : i32
      %dma_wait3A_398 = tpu.memref_slice %dma_wait3A_394[%add3A_15, %dma_wait3A_395, %dma_wait3A_396, %dma_wait3A_397] : memref<625x4x128x128xf32, #tpu.memory_space<hbm>> -> memref<1x4x128x128xf32, #tpu.memory_space<hbm>>
      %dma_wait3A_399 = tpu.memref_squeeze %dma_wait3A_398 : memref<1x4x128x128xf32, #tpu.memory_space<hbm>> -> memref<4x128x128xf32, #tpu.memory_space<hbm>>
      %dma_wait3A_400 = arith.constant 0 : i32
      %dma_wait3A_401 = arith.constant 0 : i32
      %dma_wait3A_402 = tpu.memref_slice %dma_wait3A_399[%dma_wait3A_385, %dma_wait3A_400, %dma_wait3A_401] : memref<4x128x128xf32, #tpu.memory_space<hbm>> -> memref<1x128x128xf32, #tpu.memory_space<hbm>>
      %dma_wait3A_403 = tpu.memref_squeeze %dma_wait3A_402 : memref<1x128x128xf32, #tpu.memory_space<hbm>> -> memref<128x128xf32, #tpu.memory_space<hbm>>
      %dma_wait3A_404 = arith.constant 0 : i32
      %dma_wait3A_405 = arith.constant 0 : i32
      %dma_wait3A_406 = arith.constant 0 : i32
      %dma_wait3A_407 = arith.constant 0 : i32
      %dma_wait3A_408 = tpu.memref_slice %arg4[%arg0, %dma_wait3A_404, %dma_wait3A_405, %dma_wait3A_406, %dma_wait3A_407] : memref<2x625x4x128x128xf32, #tpu.memory_space<hbm>> -> memref<1x625x4x128x128xf32, #tpu.memory_space<hbm>>
      %dma_wait3A_409 = tpu.memref_squeeze %dma_wait3A_408 : memref<1x625x4x128x128xf32, #tpu.memory_space<hbm>> -> memref<625x4x128x128xf32, #tpu.memory_space<hbm>>
      %dma_wait3A_410 = arith.constant 0 : i32
      %dma_wait3A_411 = arith.constant 0 : i32
      %dma_wait3A_412 = arith.constant 0 : i32
      %dma_wait3A_413 = tpu.memref_slice %dma_wait3A_409[%add3A_15, %dma_wait3A_410, %dma_wait3A_411, %dma_wait3A_412] : memref<625x4x128x128xf32, #tpu.memory_space<hbm>> -> memref<1x4x128x128xf32, #tpu.memory_space<hbm>>
      %dma_wait3A_414 = tpu.memref_squeeze %dma_wait3A_413 : memref<1x4x128x128xf32, #tpu.memory_space<hbm>> -> memref<4x128x128xf32, #tpu.memory_space<hbm>>
      %dma_wait3A_415 = arith.constant 0 : i32
      %dma_wait3A_416 = arith.constant 0 : i32
      %dma_wait3A_417 = tpu.memref_slice %dma_wait3A_414[%dma_wait3A_385, %dma_wait3A_415, %dma_wait3A_416] : memref<4x128x128xf32, #tpu.memory_space<hbm>> -> memref<1x128x128xf32, #tpu.memory_space<hbm>>
      %dma_wait3A_418 = tpu.memref_squeeze %dma_wait3A_417 : memref<1x128x128xf32, #tpu.memory_space<hbm>> -> memref<128x128xf32, #tpu.memory_space<hbm>>
      %dma_wait3A_419 = arith.constant 384 : i32
      %dma_wait3A_420 = arith.constant 0 : i32
      %dma_wait3A_421 = tpu.memref_slice %arg5[%dma_wait3A_419, %dma_wait3A_420] : memref<512x128xf32, #tpu.memory_space<vmem>> -> memref<128x128xf32, #tpu.memory_space<vmem>>
      tpu.wait_dma2 semaphore(%arg7 : memref<!tpu.dma_semaphore, #tpu.memory_space<semaphore_mem>>) src(%dma_wait3A_421 : memref<128x128xf32, #tpu.memory_space<vmem>>) dst(%dma_wait3A_418 : memref<128x128xf32, #tpu.memory_space<hbm>>)
    }
    return
  }
}

module attributes {stable_mosaic.version = 14 : i64} {
  func.func @_tc_segcnt_body(%arg0: i32, %arg1: memref<1000x128xf32, #tpu.memory_space<vmem>>, %arg2: memref<1x1x1000xi32, #tpu.memory_space<vmem>>, %arg3: memref<10240x128xf32, #tpu.memory_space<vmem>>, %arg4: memref<10240x16xf32, #tpu.memory_space<vmem>>) attributes {dimension_semantics = [#tpu.dimension_semantics<arbitrary>], iteration_bounds = array<i64: 320>, scalar_prefetch = 0 : i64, scratch_operands = 0 : i64, tpu.core_type = #tpu.core_type<tc>, window_params = [{transform_indices = @transform_0, window_bounds = array<i64: 1000, 128>}, {transform_indices = @transform_1, window_bounds = array<i64: 1, 1, 1000>}, {pipeline_mode = #tpu.pipeline_mode<synchronous>, transform_indices = @transform_2, window_bounds = array<i64: 10240, 128>}, {pipeline_mode = #tpu.pipeline_mode<synchronous>, transform_indices = @transform_3, window_bounds = array<i64: 10240, 16>}]} {
    %eq3A = arith.constant 0 : i32
    %eq3A_0 = arith.cmpi eq, %arg0, %eq3A : i32
    %convert_element_type3A = arith.extui %eq3A_0 : i1 to i32
    %cond3A = arith.constant 0 : i32
    %cond3A_1 = arith.cmpi ne, %convert_element_type3A, %cond3A : i32
    scf.if %cond3A_1 {
      %broadcast_in_dim3A = arith.constant 0.000000e+00 : f32
      %broadcast_in_dim3A_66 = vector.broadcast %broadcast_in_dim3A : f32 to vector<10240x128xf32>
      %swap3A = arith.constant 0 : index
      %swap3A_67 = arith.constant 0 : index
      %swap3A_68 = vector.load %arg3[%swap3A, %swap3A_67] : memref<10240x128xf32, #tpu.memory_space<vmem>>, vector<10240x128xf32>
      tpu.vector_store %arg3[%swap3A, %swap3A_67], %broadcast_in_dim3A_66 {strides = array<i32>} : memref<10240x128xf32, #tpu.memory_space<vmem>>, vector<10240x128xf32>,
      %broadcast_in_dim3A_69 = arith.constant 0.000000e+00 : f32
      %broadcast_in_dim3A_70 = vector.broadcast %broadcast_in_dim3A_69 : f32 to vector<10240x16xf32>
      %swap3A_71 = arith.constant 0 : index
      %swap3A_72 = arith.constant 0 : index
      %swap3A_73 = vector.load %arg4[%swap3A_71, %swap3A_72] : memref<10240x16xf32, #tpu.memory_space<vmem>>, vector<10240x16xf32>
      tpu.vector_store %arg4[%swap3A_71, %swap3A_72], %broadcast_in_dim3A_70 {strides = array<i32>} : memref<10240x16xf32, #tpu.memory_space<vmem>>, vector<10240x16xf32>,
    } else {
    }
    %get3A = arith.constant 0 : index
    %get3A_2 = arith.constant 0 : index
    %get3A_3 = arith.constant 0 : index
    %get3A_4 = vector.load %arg2[%get3A, %get3A_2, %get3A_3] : memref<1x1x1000xi32, #tpu.memory_space<vmem>>, vector<1x1x1000xi32>
    %get3A_5 = vector.shape_cast %get3A_4 : vector<1x1x1000xi32> to vector<1000xi32>
    %reduce_min3A = vector.shape_cast %get3A_5 : vector<1000xi32> to vector<1x1000xi32>
    %reduce_min3A_6 = arith.constant dense<2147483647> : vector<1xi32>
    %reduce_min3A_7 = vector.multi_reduction <minsi>, %reduce_min3A, %reduce_min3A_6 [1] : vector<1x1000xi32> to vector<1xi32>
    %reduce_min3A_8 = vector.shape_cast %reduce_min3A_7 : vector<1xi32> to vector<1x1xi32>
    %reduce_min3A_9 = vector.extract %reduce_min3A_8[0, 0] : i32 from vector<1x1xi32>
    %jit3A = arith.constant 8 : i32
    %div3A = arith.divsi %reduce_min3A_9, %jit3A : i32
    %sign3A = arith.constant 0 : i32
    %sign3A_10 = arith.cmpi sgt, %reduce_min3A_9, %sign3A : i32
    %sign3A_11 = arith.extui %sign3A_10 : i1 to i32
    %sign3A_12 = arith.constant 0 : i32
    %sign3A_13 = arith.cmpi slt, %reduce_min3A_9, %sign3A_12 : i32
    %sign3A_14 = arith.extui %sign3A_13 : i1 to i32
    %sign3A_15 = arith.subi %sign3A_11, %sign3A_14 : i32
    %sign3A_16 = arith.constant 0 : i32
    %sign3A_17 = arith.cmpi sgt, %jit3A, %sign3A_16 : i32
    %sign3A_18 = arith.extui %sign3A_17 : i1 to i32
    %sign3A_19 = arith.constant 0 : i32
    %sign3A_20 = arith.cmpi slt, %jit3A, %sign3A_19 : i32
    %sign3A_21 = arith.extui %sign3A_20 : i1 to i32
    %sign3A_22 = arith.subi %sign3A_18, %sign3A_21 : i32
    %ne3A = arith.cmpi ne, %sign3A_15, %sign3A_22 : i32
    %rem3A = arith.remsi %reduce_min3A_9, %jit3A : i32
    %ne3A_23 = arith.constant 0 : i32
    %ne3A_24 = arith.cmpi ne, %rem3A, %ne3A_23 : i32
    %and3A = arith.andi %ne3A, %ne3A_24 : i1
    %sub3A = arith.constant 1 : i32
    %sub3A_25 = arith.subi %div3A, %sub3A : i32
    %select_n3A = arith.select %and3A, %sub3A_25, %div3A : i32
    %mul3A = arith.constant 8 : i32
    %mul3A_26 = arith.muli %select_n3A, %mul3A : i32
    %reduce_max3A = vector.shape_cast %get3A_5 : vector<1000xi32> to vector<1x1000xi32>
    %reduce_max3A_27 = arith.constant dense<-2147483648> : vector<1xi32>
    %reduce_max3A_28 = vector.multi_reduction <maxsi>, %reduce_max3A, %reduce_max3A_27 [1] : vector<1x1000xi32> to vector<1xi32>
    %reduce_max3A_29 = vector.shape_cast %reduce_max3A_28 : vector<1xi32> to vector<1x1xi32>
    %reduce_max3A_30 = vector.extract %reduce_max3A_29[0, 0] : i32 from vector<1x1xi32>
    %sub3A_31 = arith.subi %reduce_max3A_30, %mul3A_26 : i32
    %jit3A_32 = arith.constant 128 : i32
    %div3A_33 = arith.divsi %sub3A_31, %jit3A_32 : i32
    %sign3A_34 = arith.constant 0 : i32
    %sign3A_35 = arith.cmpi sgt, %sub3A_31, %sign3A_34 : i32
    %sign3A_36 = arith.extui %sign3A_35 : i1 to i32
    %sign3A_37 = arith.constant 0 : i32
    %sign3A_38 = arith.cmpi slt, %sub3A_31, %sign3A_37 : i32
    %sign3A_39 = arith.extui %sign3A_38 : i1 to i32
    %sign3A_40 = arith.subi %sign3A_36, %sign3A_39 : i32
    %sign3A_41 = arith.constant 0 : i32
    %sign3A_42 = arith.cmpi sgt, %jit3A_32, %sign3A_41 : i32
    %sign3A_43 = arith.extui %sign3A_42 : i1 to i32
    %sign3A_44 = arith.constant 0 : i32
    %sign3A_45 = arith.cmpi slt, %jit3A_32, %sign3A_44 : i32
    %sign3A_46 = arith.extui %sign3A_45 : i1 to i32
    %sign3A_47 = arith.subi %sign3A_43, %sign3A_46 : i32
    %ne3A_48 = arith.cmpi ne, %sign3A_40, %sign3A_47 : i32
    %rem3A_49 = arith.remsi %sub3A_31, %jit3A_32 : i32
    %ne3A_50 = arith.constant 0 : i32
    %ne3A_51 = arith.cmpi ne, %rem3A_49, %ne3A_50 : i32
    %and3A_52 = arith.andi %ne3A_48, %ne3A_51 : i1
    %sub3A_53 = arith.constant 1 : i32
    %sub3A_54 = arith.subi %div3A_33, %sub3A_53 : i32
    %select_n3A_55 = arith.select %and3A_52, %sub3A_54, %div3A_33 : i32
    %add3A = arith.constant 1 : i32
    %add3A_56 = arith.addi %select_n3A_55, %add3A : i32
    %while3A = arith.constant 0 : i32
    %while3A_57 = arith.constant 0 : i32
    %while3A_58 = arith.subi %add3A_56, %while3A_57 : i32
    %while3A_59 = arith.addi %while3A_57, %while3A_58 : i32
    %while3A_60 = arith.constant 1 : i32
    %while3A_61 = arith.divsi %while3A_58, %while3A_60 : i32
    %while3A_62 = arith.muli %while3A_61, %while3A_60 : i32
    %while3A_63 = arith.addi %while3A_57, %while3A_62 : i32
    %while3A_64 = arith.constant 1 : i32
    scf.for %while3A_66 = %while3A_57 to %while3A_63 step %while3A_64  : i32 {
      %mul3A_67 = arith.constant 128 : i32
      %mul3A_68 = arith.muli %while3A_66, %mul3A_67 : i32
      %add3A_69 = arith.addi %mul3A_26, %mul3A_68 : i32
      %iota3A = tpu.iota {dimensions = array<i32: 0>} : vector<128x1000xi32>
      %add3A_70 = vector.broadcast %add3A_69 : i32 to vector<128x1000xi32>
      %add3A_71 = arith.addi %add3A_70, %iota3A : vector<128x1000xi32>
      %broadcast_in_dim3A = vector.shape_cast %get3A_5 : vector<1000xi32> to vector<1x1000xi32>
      %eq3A_72 = vector.broadcast %broadcast_in_dim3A : vector<1x1000xi32> to vector<128x1000xi32>
      %eq3A_73 = arith.cmpi eq, %add3A_71, %eq3A_72 : vector<128x1000xi32>
      %convert_element_type3A_74 = arith.extui %eq3A_73 : vector<128x1000xi1> to vector<128x1000xi32>
      %convert_element_type3A_75 = arith.sitofp %convert_element_type3A_74 : vector<128x1000xi32> to vector<128x1000xf32>
      %get3A_76 = arith.index_cast %add3A_69 : i32 to index
      %get3A_77 = arith.constant 0 : index
      %get3A_78 = vector.load %arg3[%get3A_76, %get3A_77] : memref<10240x128xf32, #tpu.memory_space<vmem>>, vector<128x128xf32>
      %get3A_79 = arith.constant 0 : index
      %get3A_80 = arith.constant 0 : index
      %get3A_81 = vector.load %arg1[%get3A_79, %get3A_80] : memref<1000x128xf32, #tpu.memory_space<vmem>>, vector<1000x128xf32>
      %dot_general3A = arith.constant dense<0.000000e+00> : vector<128x128xf32>
      %dot_general3A_82 = tpu.matmul %convert_element_type3A_75, %get3A_81, %dot_general3A {dimension_numbers = #tpu.dot_dimension_numbers<[1], [0], [0], [1], [0, 0, 1, 1], [], []>, transpose_lhs_hint = false} : vector<128x1000xf32>, vector<1000x128xf32>, vector<128x128xf32> -> vector<128x128xf32>
      %add3A_83 = arith.addf %get3A_78, %dot_general3A_82 : vector<128x128xf32>
      %swap3A = arith.index_cast %add3A_69 : i32 to index
      %swap3A_84 = arith.constant 0 : index
      %swap3A_85 = vector.load %arg3[%swap3A, %swap3A_84] : memref<10240x128xf32, #tpu.memory_space<vmem>>, vector<128x128xf32>
      tpu.vector_store %arg3[%swap3A, %swap3A_84], %add3A_83 {strides = array<i32>} : memref<10240x128xf32, #tpu.memory_space<vmem>>, vector<128x128xf32>,
      %get3A_86 = arith.index_cast %add3A_69 : i32 to index
      %get3A_87 = arith.constant 0 : index
      %get3A_88 = vector.load %arg4[%get3A_86, %get3A_87] : memref<10240x16xf32, #tpu.memory_space<vmem>>, vector<128x16xf32>
      %reduce_sum3A = arith.constant dense<0.000000e+00> : vector<128xf32>
      %reduce_sum3A_89 = vector.multi_reduction <add>, %convert_element_type3A_75, %reduce_sum3A [1] : vector<128x1000xf32> to vector<128xf32>
      %broadcast_in_dim3A_90 = vector.shape_cast %reduce_sum3A_89 : vector<128xf32> to vector<128x1xf32>
      %broadcast_in_dim3A_91 = vector.shape_cast %broadcast_in_dim3A_90 : vector<128x1xf32> to vector<128x1xf32>
      %broadcast_in_dim3A_92 = vector.broadcast %broadcast_in_dim3A_91 : vector<128x1xf32> to vector<128x16xf32>
      %add3A_93 = arith.addf %get3A_88, %broadcast_in_dim3A_92 : vector<128x16xf32>
      %swap3A_94 = arith.index_cast %add3A_69 : i32 to index
      %swap3A_95 = arith.constant 0 : index
      %swap3A_96 = vector.load %arg4[%swap3A_94, %swap3A_95] : memref<10240x16xf32, #tpu.memory_space<vmem>>, vector<128x16xf32>
      tpu.vector_store %arg4[%swap3A_94, %swap3A_95], %add3A_93 {strides = array<i32>} : memref<10240x16xf32, #tpu.memory_space<vmem>>, vector<128x16xf32>,
    }
    %while3A_65 = arith.constant 1 : i32
    scf.for %while3A_66 = %while3A_63 to %while3A_59 step %while3A_65  : i32 {
      %mul3A_67 = arith.constant 128 : i32
      %mul3A_68 = arith.muli %while3A_66, %mul3A_67 : i32
      %add3A_69 = arith.addi %mul3A_26, %mul3A_68 : i32
      %iota3A = tpu.iota {dimensions = array<i32: 0>} : vector<128x1000xi32>
      %add3A_70 = vector.broadcast %add3A_69 : i32 to vector<128x1000xi32>
      %add3A_71 = arith.addi %add3A_70, %iota3A : vector<128x1000xi32>
      %broadcast_in_dim3A = vector.shape_cast %get3A_5 : vector<1000xi32> to vector<1x1000xi32>
      %eq3A_72 = vector.broadcast %broadcast_in_dim3A : vector<1x1000xi32> to vector<128x1000xi32>
      %eq3A_73 = arith.cmpi eq, %add3A_71, %eq3A_72 : vector<128x1000xi32>
      %convert_element_type3A_74 = arith.extui %eq3A_73 : vector<128x1000xi1> to vector<128x1000xi32>
      %convert_element_type3A_75 = arith.sitofp %convert_element_type3A_74 : vector<128x1000xi32> to vector<128x1000xf32>
      %get3A_76 = arith.index_cast %add3A_69 : i32 to index
      %get3A_77 = arith.constant 0 : index
      %get3A_78 = vector.load %arg3[%get3A_76, %get3A_77] : memref<10240x128xf32, #tpu.memory_space<vmem>>, vector<128x128xf32>
      %get3A_79 = arith.constant 0 : index
      %get3A_80 = arith.constant 0 : index
      %get3A_81 = vector.load %arg1[%get3A_79, %get3A_80] : memref<1000x128xf32, #tpu.memory_space<vmem>>, vector<1000x128xf32>
      %dot_general3A = arith.constant dense<0.000000e+00> : vector<128x128xf32>
      %dot_general3A_82 = tpu.matmul %convert_element_type3A_75, %get3A_81, %dot_general3A {dimension_numbers = #tpu.dot_dimension_numbers<[1], [0], [0], [1], [0, 0, 1, 1], [], []>, transpose_lhs_hint = false} : vector<128x1000xf32>, vector<1000x128xf32>, vector<128x128xf32> -> vector<128x128xf32>
      %add3A_83 = arith.addf %get3A_78, %dot_general3A_82 : vector<128x128xf32>
      %swap3A = arith.index_cast %add3A_69 : i32 to index
      %swap3A_84 = arith.constant 0 : index
      %swap3A_85 = vector.load %arg3[%swap3A, %swap3A_84] : memref<10240x128xf32, #tpu.memory_space<vmem>>, vector<128x128xf32>
      tpu.vector_store %arg3[%swap3A, %swap3A_84], %add3A_83 {strides = array<i32>} : memref<10240x128xf32, #tpu.memory_space<vmem>>, vector<128x128xf32>,
      %get3A_86 = arith.index_cast %add3A_69 : i32 to index
      %get3A_87 = arith.constant 0 : index
      %get3A_88 = vector.load %arg4[%get3A_86, %get3A_87] : memref<10240x16xf32, #tpu.memory_space<vmem>>, vector<128x16xf32>
      %reduce_sum3A = arith.constant dense<0.000000e+00> : vector<128xf32>
      %reduce_sum3A_89 = vector.multi_reduction <add>, %convert_element_type3A_75, %reduce_sum3A [1] : vector<128x1000xf32> to vector<128xf32>
      %broadcast_in_dim3A_90 = vector.shape_cast %reduce_sum3A_89 : vector<128xf32> to vector<128x1xf32>
      %broadcast_in_dim3A_91 = vector.shape_cast %broadcast_in_dim3A_90 : vector<128x1xf32> to vector<128x1xf32>
      %broadcast_in_dim3A_92 = vector.broadcast %broadcast_in_dim3A_91 : vector<128x1xf32> to vector<128x16xf32>
      %add3A_93 = arith.addf %get3A_88, %broadcast_in_dim3A_92 : vector<128x16xf32>
      %swap3A_94 = arith.index_cast %add3A_69 : i32 to index
      %swap3A_95 = arith.constant 0 : index
      %swap3A_96 = vector.load %arg4[%swap3A_94, %swap3A_95] : memref<10240x16xf32, #tpu.memory_space<vmem>>, vector<128x16xf32>
      tpu.vector_store %arg4[%swap3A_94, %swap3A_95], %add3A_93 {strides = array<i32>} : memref<10240x16xf32, #tpu.memory_space<vmem>>, vector<128x16xf32>,
    }
    return
  }
  func.func @transform_0(%arg0: i32) -> (i32, i32) {
    %c0_i32 = arith.constant 0 : i32
    %c0_i32_0 = arith.constant 0 : i32
    return %arg0, %c0_i32 : i32, i32
  }
  func.func @transform_1(%arg0: i32) -> (i32, i32, i32) {
    %c0_i32 = arith.constant 0 : i32
    %c0_i32_0 = arith.constant 0 : i32
    %c0_i32_1 = arith.constant 0 : i32
    return %arg0, %c0_i32, %c0_i32_0 : i32, i32, i32
  }
  func.func @transform_2(%arg0: i32) -> (i32, i32) {
    %c0_i32 = arith.constant 0 : i32
    %c0_i32_0 = arith.constant 0 : i32
    %c0_i32_1 = arith.constant 0 : i32
    return %c0_i32, %c0_i32_0 : i32, i32
  }
  func.func @transform_3(%arg0: i32) -> (i32, i32) {
    %c0_i32 = arith.constant 0 : i32
    %c0_i32_0 = arith.constant 0 : i32
    %c0_i32_1 = arith.constant 0 : i32
    return %c0_i32, %c0_i32_0 : i32, i32
  }
}

module attributes {stable_mosaic.version = 14 : i64} {
  func.func @_tc_vtab_body(%arg0: i32, %arg1: memref<1024x128xf32, #tpu.memory_space<vmem>>, %arg2: memref<1024x16xf32, #tpu.memory_space<vmem>>, %arg3: memref<128x64xf32, #tpu.memory_space<vmem>>, %arg4: memref<1x64xf32, #tpu.memory_space<vmem>>, %arg5: memref<1024x128xf32, #tpu.memory_space<vmem>>) attributes {dimension_semantics = [#tpu.dimension_semantics<arbitrary>], iteration_bounds = array<i64: 10>, scalar_prefetch = 0 : i64, scratch_operands = 0 : i64, tpu.core_type = #tpu.core_type<tc>, window_params = [{transform_indices = @transform_0, window_bounds = array<i64: 1024, 128>}, {transform_indices = @transform_1, window_bounds = array<i64: 1024, 16>}, {pipeline_mode = #tpu.pipeline_mode<synchronous>, transform_indices = @transform_2, window_bounds = array<i64: 128, 64>}, {pipeline_mode = #tpu.pipeline_mode<synchronous>, transform_indices = @transform_3, window_bounds = array<i64: 1, 64>}, {transform_indices = @transform_4, window_bounds = array<i64: 1024, 128>}]} {
    %get3A = arith.constant 0 : index
    %get3A_0 = arith.constant 0 : index
    %get3A_1 = vector.load %arg2[%get3A, %get3A_0] : memref<1024x16xf32, #tpu.memory_space<vmem>>, vector<1024x1xf32>
    %max3A = arith.constant 1.000000e+00 : f32
    %max3A_2 = vector.broadcast %max3A : f32 to vector<1024x1xf32>
    %max3A_3 = arith.maximumf %get3A_1, %max3A_2 : vector<1024x1xf32>
    %get3A_4 = arith.constant 0 : index
    %get3A_5 = arith.constant 0 : index
    %get3A_6 = vector.load %arg1[%get3A_4, %get3A_5] : memref<1024x128xf32, #tpu.memory_space<vmem>>, vector<1024x128xf32>
    %div3A = vector.broadcast %max3A_3 : vector<1024x1xf32> to vector<1024x128xf32>
    %div3A_7 = arith.divf %get3A_6, %div3A : vector<1024x128xf32>
    %get3A_8 = arith.constant 0 : index
    %get3A_9 = arith.constant 0 : index
    %get3A_10 = vector.load %arg3[%get3A_8, %get3A_9] : memref<128x64xf32, #tpu.memory_space<vmem>>, vector<128x64xf32>
    %dot_general3A = arith.constant dense<0.000000e+00> : vector<1024x64xf32>
    %dot_general3A_11 = tpu.matmul %div3A_7, %get3A_10, %dot_general3A {dimension_numbers = #tpu.dot_dimension_numbers<[1], [0], [0], [1], [0, 0, 1, 1], [], []>, transpose_lhs_hint = false} : vector<1024x128xf32>, vector<128x64xf32>, vector<1024x64xf32> -> vector<1024x64xf32>
    %get3A_12 = arith.constant 0 : index
    %get3A_13 = arith.constant 0 : index
    %get3A_14 = vector.load %arg4[%get3A_12, %get3A_13] : memref<1x64xf32, #tpu.memory_space<vmem>>, vector<1x64xf32>
    %add3A = vector.broadcast %get3A_14 : vector<1x64xf32> to vector<1024x64xf32>
    %add3A_15 = arith.addf %dot_general3A_11, %add3A : vector<1024x64xf32>
    %broadcast_in_dim3A = arith.constant 0.000000e+00 : f32
    %broadcast_in_dim3A_16 = vector.broadcast %broadcast_in_dim3A : f32 to vector<1024x64xf32>
    %concatenate3A = tpu.concatenate %add3A_15, %broadcast_in_dim3A_16 in 1 : vector<1024x64xf32>, vector<1024x64xf32> -> vector<1024x128xf32>
    %swap3A = arith.constant 0 : index
    %swap3A_17 = arith.constant 0 : index
    %swap3A_18 = vector.load %arg5[%swap3A, %swap3A_17] : memref<1024x128xf32, #tpu.memory_space<vmem>>, vector<1024x128xf32>
    tpu.vector_store %arg5[%swap3A, %swap3A_17], %concatenate3A {strides = array<i32>} : memref<1024x128xf32, #tpu.memory_space<vmem>>, vector<1024x128xf32>,
    return
  }
  func.func @transform_0(%arg0: i32) -> (i32, i32) {
    %c0_i32 = arith.constant 0 : i32
    %c0_i32_0 = arith.constant 0 : i32
    return %arg0, %c0_i32 : i32, i32
  }
  func.func @transform_1(%arg0: i32) -> (i32, i32) {
    %c0_i32 = arith.constant 0 : i32
    %c0_i32_0 = arith.constant 0 : i32
    return %arg0, %c0_i32 : i32, i32
  }
  func.func @transform_2(%arg0: i32) -> (i32, i32) {
    %c0_i32 = arith.constant 0 : i32
    %c0_i32_0 = arith.constant 0 : i32
    %c0_i32_1 = arith.constant 0 : i32
    return %c0_i32, %c0_i32_0 : i32, i32
  }
  func.func @transform_3(%arg0: i32) -> (i32, i32) {
    %c0_i32 = arith.constant 0 : i32
    %c0_i32_0 = arith.constant 0 : i32
    %c0_i32_1 = arith.constant 0 : i32
    return %c0_i32, %c0_i32_0 : i32, i32
  }
  func.func @transform_4(%arg0: i32) -> (i32, i32) {
    %c0_i32 = arith.constant 0 : i32
    %c0_i32_0 = arith.constant 0 : i32
    return %arg0, %c0_i32 : i32, i32
  }
}

module attributes {stable_mosaic.version = 14 : i64} {
  func.func @_tc_score_body(%arg0: i32, %arg1: memref<4000x128xf32, #tpu.memory_space<vmem>>, %arg2: memref<4000x128xf32, #tpu.memory_space<vmem>>, %arg3: memref<128x64xf32, #tpu.memory_space<vmem>>, %arg4: memref<1x64xf32, #tpu.memory_space<vmem>>, %arg5: memref<1x1xf32, #tpu.memory_space<vmem>>, %arg6: memref<4000x16xf32, #tpu.memory_space<vmem>>, %arg7: memref<4000x128xf32, #tpu.memory_space<vmem>>) attributes {dimension_semantics = [#tpu.dimension_semantics<arbitrary>], iteration_bounds = array<i64: 80>, scalar_prefetch = 0 : i64, scratch_operands = 0 : i64, tpu.core_type = #tpu.core_type<tc>, window_params = [{transform_indices = @transform_0, window_bounds = array<i64: 4000, 128>}, {transform_indices = @transform_1, window_bounds = array<i64: 4000, 128>}, {pipeline_mode = #tpu.pipeline_mode<synchronous>, transform_indices = @transform_2, window_bounds = array<i64: 128, 64>}, {pipeline_mode = #tpu.pipeline_mode<synchronous>, transform_indices = @transform_3, window_bounds = array<i64: 1, 64>}, {pipeline_mode = #tpu.pipeline_mode<synchronous>, transform_indices = @transform_4, window_bounds = array<i64: 1, 1>}, {transform_indices = @transform_5, window_bounds = array<i64: 4000, 16>}, {transform_indices = @transform_6, window_bounds = array<i64: 4000, 128>}]} {
    %get3A = arith.constant 0 : index
    %get3A_0 = arith.constant 0 : index
    %get3A_1 = vector.load %arg1[%get3A, %get3A_0] : memref<4000x128xf32, #tpu.memory_space<vmem>>, vector<4000x128xf32>
    %get3A_2 = arith.constant 0 : index
    %get3A_3 = arith.constant 0 : index
    %get3A_4 = vector.load %arg3[%get3A_2, %get3A_3] : memref<128x64xf32, #tpu.memory_space<vmem>>, vector<128x64xf32>
    %dot_general3A = arith.constant dense<0.000000e+00> : vector<4000x64xf32>
    %dot_general3A_5 = tpu.matmul %get3A_1, %get3A_4, %dot_general3A {dimension_numbers = #tpu.dot_dimension_numbers<[1], [0], [0], [1], [0, 0, 1, 1], [], []>, transpose_lhs_hint = false} : vector<4000x128xf32>, vector<128x64xf32>, vector<4000x64xf32> -> vector<4000x64xf32>
    %get3A_6 = arith.constant 0 : index
    %get3A_7 = arith.constant 0 : index
    %get3A_8 = vector.load %arg2[%get3A_6, %get3A_7] : memref<4000x128xf32, #tpu.memory_space<vmem>>, vector<4000x64xf32>
    %add3A = arith.addf %dot_general3A_5, %get3A_8 : vector<4000x64xf32>
    %gt3A = arith.constant 0.000000e+00 : f32
    %gt3A_9 = vector.broadcast %gt3A : f32 to vector<4000x64xf32>
    %gt3A_10 = arith.cmpf ogt, %add3A, %gt3A_9 : vector<4000x64xf32>
    %mul3A = arith.constant 2.000000e-01 : f32
    %mul3A_11 = vector.broadcast %mul3A : f32 to vector<4000x64xf32>
    %mul3A_12 = arith.mulf %mul3A_11, %add3A : vector<4000x64xf32>
    %select_n3A = arith.select %gt3A_10, %add3A, %mul3A_12 : vector<4000x64xi1>, vector<4000x64xf32>
    %get3A_13 = arith.constant 0 : index
    %get3A_14 = arith.constant 0 : index
    %get3A_15 = vector.load %arg4[%get3A_13, %get3A_14] : memref<1x64xf32, #tpu.memory_space<vmem>>, vector<1x64xf32>
    %mul3A_16 = vector.broadcast %get3A_15 : vector<1x64xf32> to vector<4000x64xf32>
    %mul3A_17 = arith.mulf %select_n3A, %mul3A_16 : vector<4000x64xf32>
    %reduce_sum3A = arith.constant dense<0.000000e+00> : vector<4000xf32>
    %reduce_sum3A_18 = vector.multi_reduction <add>, %mul3A_17, %reduce_sum3A [1] : vector<4000x64xf32> to vector<4000xf32>
    %broadcast_in_dim3A = vector.shape_cast %reduce_sum3A_18 : vector<4000xf32> to vector<4000x1xf32>
    %get3A_19 = arith.constant 0 : index
    %get3A_20 = arith.constant 0 : index
    %get3A_21 = vector.load %arg5[%get3A_19, %get3A_20] : memref<1x1xf32, #tpu.memory_space<vmem>>, vector<1x1xf32>
    %add3A_22 = vector.broadcast %get3A_21 : vector<1x1xf32> to vector<4000x1xf32>
    %add3A_23 = arith.addf %broadcast_in_dim3A, %add3A_22 : vector<4000x1xf32>
    %exp3A = math.exp %add3A_23 : vector<4000x1xf32>
    %broadcast_in_dim3A_24 = arith.constant 0.000000e+00 : f32
    %broadcast_in_dim3A_25 = vector.broadcast %broadcast_in_dim3A_24 : f32 to vector<4000x15xf32>
    %concatenate3A = tpu.concatenate %exp3A, %broadcast_in_dim3A_25 in 1 : vector<4000x1xf32>, vector<4000x15xf32> -> vector<4000x16xf32>
    %swap3A = arith.constant 0 : index
    %swap3A_26 = arith.constant 0 : index
    %swap3A_27 = vector.load %arg6[%swap3A, %swap3A_26] : memref<4000x16xf32, #tpu.memory_space<vmem>>, vector<4000x16xf32>
    tpu.vector_store %arg6[%swap3A, %swap3A_26], %concatenate3A {strides = array<i32>} : memref<4000x16xf32, #tpu.memory_space<vmem>>, vector<4000x16xf32>,
    %get3A_28 = arith.constant 0 : index
    %get3A_29 = arith.constant 0 : index
    %get3A_30 = vector.load %arg1[%get3A_28, %get3A_29] : memref<4000x128xf32, #tpu.memory_space<vmem>>, vector<4000x128xf32>
    %mul3A_31 = vector.broadcast %exp3A : vector<4000x1xf32> to vector<4000x128xf32>
    %mul3A_32 = arith.mulf %get3A_30, %mul3A_31 : vector<4000x128xf32>
    %swap3A_33 = arith.constant 0 : index
    %swap3A_34 = arith.constant 0 : index
    %swap3A_35 = vector.load %arg7[%swap3A_33, %swap3A_34] : memref<4000x128xf32, #tpu.memory_space<vmem>>, vector<4000x128xf32>
    tpu.vector_store %arg7[%swap3A_33, %swap3A_34], %mul3A_32 {strides = array<i32>} : memref<4000x128xf32, #tpu.memory_space<vmem>>, vector<4000x128xf32>,
    return
  }
  func.func @transform_0(%arg0: i32) -> (i32, i32) {
    %c0_i32 = arith.constant 0 : i32
    %c0_i32_0 = arith.constant 0 : i32
    return %arg0, %c0_i32 : i32, i32
  }
  func.func @transform_1(%arg0: i32) -> (i32, i32) {
    %c0_i32 = arith.constant 0 : i32
    %c0_i32_0 = arith.constant 0 : i32
    return %arg0, %c0_i32 : i32, i32
  }
  func.func @transform_2(%arg0: i32) -> (i32, i32) {
    %c0_i32 = arith.constant 0 : i32
    %c0_i32_0 = arith.constant 0 : i32
    %c0_i32_1 = arith.constant 0 : i32
    return %c0_i32, %c0_i32_0 : i32, i32
  }
  func.func @transform_3(%arg0: i32) -> (i32, i32) {
    %c0_i32 = arith.constant 0 : i32
    %c0_i32_0 = arith.constant 0 : i32
    %c0_i32_1 = arith.constant 0 : i32
    return %c0_i32, %c0_i32_0 : i32, i32
  }
  func.func @transform_4(%arg0: i32) -> (i32, i32) {
    %c0_i32 = arith.constant 0 : i32
    %c0_i32_0 = arith.constant 0 : i32
    %c0_i32_1 = arith.constant 0 : i32
    return %c0_i32, %c0_i32_0 : i32, i32
  }
  func.func @transform_5(%arg0: i32) -> (i32, i32) {
    %c0_i32 = arith.constant 0 : i32
    %c0_i32_0 = arith.constant 0 : i32
    return %arg0, %c0_i32 : i32, i32
  }
  func.func @transform_6(%arg0: i32) -> (i32, i32) {
    %c0_i32 = arith.constant 0 : i32
    %c0_i32_0 = arith.constant 0 : i32
    return %arg0, %c0_i32 : i32, i32
  }
}

module attributes {stable_mosaic.version = 14 : i64} {
  func.func @_tc_segpay_body(%arg0: i32, %arg1: memref<1000x128xf32, #tpu.memory_space<vmem>>, %arg2: memref<1000x16xf32, #tpu.memory_space<vmem>>, %arg3: memref<1x1x1000xi32, #tpu.memory_space<vmem>>, %arg4: memref<10240x128xf32, #tpu.memory_space<vmem>>, %arg5: memref<10240x16xf32, #tpu.memory_space<vmem>>) attributes {dimension_semantics = [#tpu.dimension_semantics<arbitrary>], iteration_bounds = array<i64: 320>, scalar_prefetch = 0 : i64, scratch_operands = 0 : i64, tpu.core_type = #tpu.core_type<tc>, window_params = [{transform_indices = @transform_0, window_bounds = array<i64: 1000, 128>}, {transform_indices = @transform_1, window_bounds = array<i64: 1000, 16>}, {transform_indices = @transform_2, window_bounds = array<i64: 1, 1, 1000>}, {pipeline_mode = #tpu.pipeline_mode<synchronous>, transform_indices = @transform_3, window_bounds = array<i64: 10240, 128>}, {pipeline_mode = #tpu.pipeline_mode<synchronous>, transform_indices = @transform_4, window_bounds = array<i64: 10240, 16>}]} {
    %eq3A = arith.constant 0 : i32
    %eq3A_0 = arith.cmpi eq, %arg0, %eq3A : i32
    %convert_element_type3A = arith.extui %eq3A_0 : i1 to i32
    %cond3A = arith.constant 0 : i32
    %cond3A_1 = arith.cmpi ne, %convert_element_type3A, %cond3A : i32
    scf.if %cond3A_1 {
      %broadcast_in_dim3A = arith.constant 0.000000e+00 : f32
      %broadcast_in_dim3A_66 = vector.broadcast %broadcast_in_dim3A : f32 to vector<10240x128xf32>
      %swap3A = arith.constant 0 : index
      %swap3A_67 = arith.constant 0 : index
      %swap3A_68 = vector.load %arg4[%swap3A, %swap3A_67] : memref<10240x128xf32, #tpu.memory_space<vmem>>, vector<10240x128xf32>
      tpu.vector_store %arg4[%swap3A, %swap3A_67], %broadcast_in_dim3A_66 {strides = array<i32>} : memref<10240x128xf32, #tpu.memory_space<vmem>>, vector<10240x128xf32>,
      %broadcast_in_dim3A_69 = arith.constant 0.000000e+00 : f32
      %broadcast_in_dim3A_70 = vector.broadcast %broadcast_in_dim3A_69 : f32 to vector<10240x16xf32>
      %swap3A_71 = arith.constant 0 : index
      %swap3A_72 = arith.constant 0 : index
      %swap3A_73 = vector.load %arg5[%swap3A_71, %swap3A_72] : memref<10240x16xf32, #tpu.memory_space<vmem>>, vector<10240x16xf32>
      tpu.vector_store %arg5[%swap3A_71, %swap3A_72], %broadcast_in_dim3A_70 {strides = array<i32>} : memref<10240x16xf32, #tpu.memory_space<vmem>>, vector<10240x16xf32>,
    } else {
    }
    %get3A = arith.constant 0 : index
    %get3A_2 = arith.constant 0 : index
    %get3A_3 = arith.constant 0 : index
    %get3A_4 = vector.load %arg3[%get3A, %get3A_2, %get3A_3] : memref<1x1x1000xi32, #tpu.memory_space<vmem>>, vector<1x1x1000xi32>
    %get3A_5 = vector.shape_cast %get3A_4 : vector<1x1x1000xi32> to vector<1000xi32>
    %reduce_min3A = vector.shape_cast %get3A_5 : vector<1000xi32> to vector<1x1000xi32>
    %reduce_min3A_6 = arith.constant dense<2147483647> : vector<1xi32>
    %reduce_min3A_7 = vector.multi_reduction <minsi>, %reduce_min3A, %reduce_min3A_6 [1] : vector<1x1000xi32> to vector<1xi32>
    %reduce_min3A_8 = vector.shape_cast %reduce_min3A_7 : vector<1xi32> to vector<1x1xi32>
    %reduce_min3A_9 = vector.extract %reduce_min3A_8[0, 0] : i32 from vector<1x1xi32>
    %jit3A = arith.constant 8 : i32
    %div3A = arith.divsi %reduce_min3A_9, %jit3A : i32
    %sign3A = arith.constant 0 : i32
    %sign3A_10 = arith.cmpi sgt, %reduce_min3A_9, %sign3A : i32
    %sign3A_11 = arith.extui %sign3A_10 : i1 to i32
    %sign3A_12 = arith.constant 0 : i32
    %sign3A_13 = arith.cmpi slt, %reduce_min3A_9, %sign3A_12 : i32
    %sign3A_14 = arith.extui %sign3A_13 : i1 to i32
    %sign3A_15 = arith.subi %sign3A_11, %sign3A_14 : i32
    %sign3A_16 = arith.constant 0 : i32
    %sign3A_17 = arith.cmpi sgt, %jit3A, %sign3A_16 : i32
    %sign3A_18 = arith.extui %sign3A_17 : i1 to i32
    %sign3A_19 = arith.constant 0 : i32
    %sign3A_20 = arith.cmpi slt, %jit3A, %sign3A_19 : i32
    %sign3A_21 = arith.extui %sign3A_20 : i1 to i32
    %sign3A_22 = arith.subi %sign3A_18, %sign3A_21 : i32
    %ne3A = arith.cmpi ne, %sign3A_15, %sign3A_22 : i32
    %rem3A = arith.remsi %reduce_min3A_9, %jit3A : i32
    %ne3A_23 = arith.constant 0 : i32
    %ne3A_24 = arith.cmpi ne, %rem3A, %ne3A_23 : i32
    %and3A = arith.andi %ne3A, %ne3A_24 : i1
    %sub3A = arith.constant 1 : i32
    %sub3A_25 = arith.subi %div3A, %sub3A : i32
    %select_n3A = arith.select %and3A, %sub3A_25, %div3A : i32
    %mul3A = arith.constant 8 : i32
    %mul3A_26 = arith.muli %select_n3A, %mul3A : i32
    %reduce_max3A = vector.shape_cast %get3A_5 : vector<1000xi32> to vector<1x1000xi32>
    %reduce_max3A_27 = arith.constant dense<-2147483648> : vector<1xi32>
    %reduce_max3A_28 = vector.multi_reduction <maxsi>, %reduce_max3A, %reduce_max3A_27 [1] : vector<1x1000xi32> to vector<1xi32>
    %reduce_max3A_29 = vector.shape_cast %reduce_max3A_28 : vector<1xi32> to vector<1x1xi32>
    %reduce_max3A_30 = vector.extract %reduce_max3A_29[0, 0] : i32 from vector<1x1xi32>
    %sub3A_31 = arith.subi %reduce_max3A_30, %mul3A_26 : i32
    %jit3A_32 = arith.constant 128 : i32
    %div3A_33 = arith.divsi %sub3A_31, %jit3A_32 : i32
    %sign3A_34 = arith.constant 0 : i32
    %sign3A_35 = arith.cmpi sgt, %sub3A_31, %sign3A_34 : i32
    %sign3A_36 = arith.extui %sign3A_35 : i1 to i32
    %sign3A_37 = arith.constant 0 : i32
    %sign3A_38 = arith.cmpi slt, %sub3A_31, %sign3A_37 : i32
    %sign3A_39 = arith.extui %sign3A_38 : i1 to i32
    %sign3A_40 = arith.subi %sign3A_36, %sign3A_39 : i32
    %sign3A_41 = arith.constant 0 : i32
    %sign3A_42 = arith.cmpi sgt, %jit3A_32, %sign3A_41 : i32
    %sign3A_43 = arith.extui %sign3A_42 : i1 to i32
    %sign3A_44 = arith.constant 0 : i32
    %sign3A_45 = arith.cmpi slt, %jit3A_32, %sign3A_44 : i32
    %sign3A_46 = arith.extui %sign3A_45 : i1 to i32
    %sign3A_47 = arith.subi %sign3A_43, %sign3A_46 : i32
    %ne3A_48 = arith.cmpi ne, %sign3A_40, %sign3A_47 : i32
    %rem3A_49 = arith.remsi %sub3A_31, %jit3A_32 : i32
    %ne3A_50 = arith.constant 0 : i32
    %ne3A_51 = arith.cmpi ne, %rem3A_49, %ne3A_50 : i32
    %and3A_52 = arith.andi %ne3A_48, %ne3A_51 : i1
    %sub3A_53 = arith.constant 1 : i32
    %sub3A_54 = arith.subi %div3A_33, %sub3A_53 : i32
    %select_n3A_55 = arith.select %and3A_52, %sub3A_54, %div3A_33 : i32
    %add3A = arith.constant 1 : i32
    %add3A_56 = arith.addi %select_n3A_55, %add3A : i32
    %while3A = arith.constant 0 : i32
    %while3A_57 = arith.constant 0 : i32
    %while3A_58 = arith.subi %add3A_56, %while3A_57 : i32
    %while3A_59 = arith.addi %while3A_57, %while3A_58 : i32
    %while3A_60 = arith.constant 1 : i32
    %while3A_61 = arith.divsi %while3A_58, %while3A_60 : i32
    %while3A_62 = arith.muli %while3A_61, %while3A_60 : i32
    %while3A_63 = arith.addi %while3A_57, %while3A_62 : i32
    %while3A_64 = arith.constant 1 : i32
    scf.for %while3A_66 = %while3A_57 to %while3A_63 step %while3A_64  : i32 {
      %mul3A_67 = arith.constant 128 : i32
      %mul3A_68 = arith.muli %while3A_66, %mul3A_67 : i32
      %add3A_69 = arith.addi %mul3A_26, %mul3A_68 : i32
      %iota3A = tpu.iota {dimensions = array<i32: 0>} : vector<128x1000xi32>
      %add3A_70 = vector.broadcast %add3A_69 : i32 to vector<128x1000xi32>
      %add3A_71 = arith.addi %add3A_70, %iota3A : vector<128x1000xi32>
      %broadcast_in_dim3A = vector.shape_cast %get3A_5 : vector<1000xi32> to vector<1x1000xi32>
      %eq3A_72 = vector.broadcast %broadcast_in_dim3A : vector<1x1000xi32> to vector<128x1000xi32>
      %eq3A_73 = arith.cmpi eq, %add3A_71, %eq3A_72 : vector<128x1000xi32>
      %convert_element_type3A_74 = arith.extui %eq3A_73 : vector<128x1000xi1> to vector<128x1000xi32>
      %convert_element_type3A_75 = arith.sitofp %convert_element_type3A_74 : vector<128x1000xi32> to vector<128x1000xf32>
      %get3A_76 = arith.index_cast %add3A_69 : i32 to index
      %get3A_77 = arith.constant 0 : index
      %get3A_78 = vector.load %arg4[%get3A_76, %get3A_77] : memref<10240x128xf32, #tpu.memory_space<vmem>>, vector<128x128xf32>
      %get3A_79 = arith.constant 0 : index
      %get3A_80 = arith.constant 0 : index
      %get3A_81 = vector.load %arg1[%get3A_79, %get3A_80] : memref<1000x128xf32, #tpu.memory_space<vmem>>, vector<1000x128xf32>
      %dot_general3A = arith.constant dense<0.000000e+00> : vector<128x128xf32>
      %dot_general3A_82 = tpu.matmul %convert_element_type3A_75, %get3A_81, %dot_general3A {dimension_numbers = #tpu.dot_dimension_numbers<[1], [0], [0], [1], [0, 0, 1, 1], [], []>, transpose_lhs_hint = false} : vector<128x1000xf32>, vector<1000x128xf32>, vector<128x128xf32> -> vector<128x128xf32>
      %add3A_83 = arith.addf %get3A_78, %dot_general3A_82 : vector<128x128xf32>
      %swap3A = arith.index_cast %add3A_69 : i32 to index
      %swap3A_84 = arith.constant 0 : index
      %swap3A_85 = vector.load %arg4[%swap3A, %swap3A_84] : memref<10240x128xf32, #tpu.memory_space<vmem>>, vector<128x128xf32>
      tpu.vector_store %arg4[%swap3A, %swap3A_84], %add3A_83 {strides = array<i32>} : memref<10240x128xf32, #tpu.memory_space<vmem>>, vector<128x128xf32>,
      %get3A_86 = arith.index_cast %add3A_69 : i32 to index
      %get3A_87 = arith.constant 0 : index
      %get3A_88 = vector.load %arg5[%get3A_86, %get3A_87] : memref<10240x16xf32, #tpu.memory_space<vmem>>, vector<128x16xf32>
      %get3A_89 = arith.constant 0 : index
      %get3A_90 = arith.constant 0 : index
      %get3A_91 = vector.load %arg2[%get3A_89, %get3A_90] : memref<1000x16xf32, #tpu.memory_space<vmem>>, vector<1000x16xf32>
      %dot_general3A_92 = arith.constant dense<0.000000e+00> : vector<128x16xf32>
      %dot_general3A_93 = tpu.matmul %convert_element_type3A_75, %get3A_91, %dot_general3A_92 {dimension_numbers = #tpu.dot_dimension_numbers<[1], [0], [0], [1], [0, 0, 1, 1], [], []>, transpose_lhs_hint = false} : vector<128x1000xf32>, vector<1000x16xf32>, vector<128x16xf32> -> vector<128x16xf32>
      %add3A_94 = arith.addf %get3A_88, %dot_general3A_93 : vector<128x16xf32>
      %swap3A_95 = arith.index_cast %add3A_69 : i32 to index
      %swap3A_96 = arith.constant 0 : index
      %swap3A_97 = vector.load %arg5[%swap3A_95, %swap3A_96] : memref<10240x16xf32, #tpu.memory_space<vmem>>, vector<128x16xf32>
      tpu.vector_store %arg5[%swap3A_95, %swap3A_96], %add3A_94 {strides = array<i32>} : memref<10240x16xf32, #tpu.memory_space<vmem>>, vector<128x16xf32>,
    }
    %while3A_65 = arith.constant 1 : i32
    scf.for %while3A_66 = %while3A_63 to %while3A_59 step %while3A_65  : i32 {
      %mul3A_67 = arith.constant 128 : i32
      %mul3A_68 = arith.muli %while3A_66, %mul3A_67 : i32
      %add3A_69 = arith.addi %mul3A_26, %mul3A_68 : i32
      %iota3A = tpu.iota {dimensions = array<i32: 0>} : vector<128x1000xi32>
      %add3A_70 = vector.broadcast %add3A_69 : i32 to vector<128x1000xi32>
      %add3A_71 = arith.addi %add3A_70, %iota3A : vector<128x1000xi32>
      %broadcast_in_dim3A = vector.shape_cast %get3A_5 : vector<1000xi32> to vector<1x1000xi32>
      %eq3A_72 = vector.broadcast %broadcast_in_dim3A : vector<1x1000xi32> to vector<128x1000xi32>
      %eq3A_73 = arith.cmpi eq, %add3A_71, %eq3A_72 : vector<128x1000xi32>
      %convert_element_type3A_74 = arith.extui %eq3A_73 : vector<128x1000xi1> to vector<128x1000xi32>
      %convert_element_type3A_75 = arith.sitofp %convert_element_type3A_74 : vector<128x1000xi32> to vector<128x1000xf32>
      %get3A_76 = arith.index_cast %add3A_69 : i32 to index
      %get3A_77 = arith.constant 0 : index
      %get3A_78 = vector.load %arg4[%get3A_76, %get3A_77] : memref<10240x128xf32, #tpu.memory_space<vmem>>, vector<128x128xf32>
      %get3A_79 = arith.constant 0 : index
      %get3A_80 = arith.constant 0 : index
      %get3A_81 = vector.load %arg1[%get3A_79, %get3A_80] : memref<1000x128xf32, #tpu.memory_space<vmem>>, vector<1000x128xf32>
      %dot_general3A = arith.constant dense<0.000000e+00> : vector<128x128xf32>
      %dot_general3A_82 = tpu.matmul %convert_element_type3A_75, %get3A_81, %dot_general3A {dimension_numbers = #tpu.dot_dimension_numbers<[1], [0], [0], [1], [0, 0, 1, 1], [], []>, transpose_lhs_hint = false} : vector<128x1000xf32>, vector<1000x128xf32>, vector<128x128xf32> -> vector<128x128xf32>
      %add3A_83 = arith.addf %get3A_78, %dot_general3A_82 : vector<128x128xf32>
      %swap3A = arith.index_cast %add3A_69 : i32 to index
      %swap3A_84 = arith.constant 0 : index
      %swap3A_85 = vector.load %arg4[%swap3A, %swap3A_84] : memref<10240x128xf32, #tpu.memory_space<vmem>>, vector<128x128xf32>
      tpu.vector_store %arg4[%swap3A, %swap3A_84], %add3A_83 {strides = array<i32>} : memref<10240x128xf32, #tpu.memory_space<vmem>>, vector<128x128xf32>,
      %get3A_86 = arith.index_cast %add3A_69 : i32 to index
      %get3A_87 = arith.constant 0 : index
      %get3A_88 = vector.load %arg5[%get3A_86, %get3A_87] : memref<10240x16xf32, #tpu.memory_space<vmem>>, vector<128x16xf32>
      %get3A_89 = arith.constant 0 : index
      %get3A_90 = arith.constant 0 : index
      %get3A_91 = vector.load %arg2[%get3A_89, %get3A_90] : memref<1000x16xf32, #tpu.memory_space<vmem>>, vector<1000x16xf32>
      %dot_general3A_92 = arith.constant dense<0.000000e+00> : vector<128x16xf32>
      %dot_general3A_93 = tpu.matmul %convert_element_type3A_75, %get3A_91, %dot_general3A_92 {dimension_numbers = #tpu.dot_dimension_numbers<[1], [0], [0], [1], [0, 0, 1, 1], [], []>, transpose_lhs_hint = false} : vector<128x1000xf32>, vector<1000x16xf32>, vector<128x16xf32> -> vector<128x16xf32>
      %add3A_94 = arith.addf %get3A_88, %dot_general3A_93 : vector<128x16xf32>
      %swap3A_95 = arith.index_cast %add3A_69 : i32 to index
      %swap3A_96 = arith.constant 0 : index
      %swap3A_97 = vector.load %arg5[%swap3A_95, %swap3A_96] : memref<10240x16xf32, #tpu.memory_space<vmem>>, vector<128x16xf32>
      tpu.vector_store %arg5[%swap3A_95, %swap3A_96], %add3A_94 {strides = array<i32>} : memref<10240x16xf32, #tpu.memory_space<vmem>>, vector<128x16xf32>,
    }
    return
  }
  func.func @transform_0(%arg0: i32) -> (i32, i32) {
    %c0_i32 = arith.constant 0 : i32
    %c0_i32_0 = arith.constant 0 : i32
    return %arg0, %c0_i32 : i32, i32
  }
  func.func @transform_1(%arg0: i32) -> (i32, i32) {
    %c0_i32 = arith.constant 0 : i32
    %c0_i32_0 = arith.constant 0 : i32
    return %arg0, %c0_i32 : i32, i32
  }
  func.func @transform_2(%arg0: i32) -> (i32, i32, i32) {
    %c0_i32 = arith.constant 0 : i32
    %c0_i32_0 = arith.constant 0 : i32
    %c0_i32_1 = arith.constant 0 : i32
    return %arg0, %c0_i32, %c0_i32_0 : i32, i32, i32
  }
  func.func @transform_3(%arg0: i32) -> (i32, i32) {
    %c0_i32 = arith.constant 0 : i32
    %c0_i32_0 = arith.constant 0 : i32
    %c0_i32_1 = arith.constant 0 : i32
    return %c0_i32, %c0_i32_0 : i32, i32
  }
  func.func @transform_4(%arg0: i32) -> (i32, i32) {
    %c0_i32 = arith.constant 0 : i32
    %c0_i32_0 = arith.constant 0 : i32
    %c0_i32_1 = arith.constant 0 : i32
    return %c0_i32, %c0_i32_0 : i32, i32
  }
}

module attributes {stable_mosaic.version = 14 : i64} {
  func.func @_tc_fuse_body(%arg0: i32, %arg1: memref<1000x128xf32, #tpu.memory_space<vmem>>, %arg2: memref<1000x16xf32, #tpu.memory_space<vmem>>, %arg3: memref<1000x128xf32, #tpu.memory_space<vmem>>, %arg4: memref<1000x16xf32, #tpu.memory_space<vmem>>, %arg5: memref<512x256xf32, #tpu.memory_space<vmem>>, %arg6: memref<1x256xf32, #tpu.memory_space<vmem>>, %arg7: memref<256x128xf32, #tpu.memory_space<vmem>>, %arg8: memref<1x128xf32, #tpu.memory_space<vmem>>, %arg9: memref<1000x128xf32, #tpu.memory_space<vmem>>, %arg10: memref<1000x128xf32, #tpu.memory_space<vmem>>, %arg11: memref<1000x128xf32, #tpu.memory_space<vmem>>) attributes {dimension_semantics = [#tpu.dimension_semantics<arbitrary>], iteration_bounds = array<i64: 10>, scalar_prefetch = 0 : i64, scratch_operands = 0 : i64, tpu.core_type = #tpu.core_type<tc>, window_params = [{transform_indices = @transform_0, window_bounds = array<i64: 1000, 128>}, {transform_indices = @transform_1, window_bounds = array<i64: 1000, 16>}, {transform_indices = @transform_2, window_bounds = array<i64: 1000, 128>}, {transform_indices = @transform_3, window_bounds = array<i64: 1000, 16>}, {pipeline_mode = #tpu.pipeline_mode<synchronous>, transform_indices = @transform_4, window_bounds = array<i64: 512, 256>}, {pipeline_mode = #tpu.pipeline_mode<synchronous>, transform_indices = @transform_5, window_bounds = array<i64: 1, 256>}, {pipeline_mode = #tpu.pipeline_mode<synchronous>, transform_indices = @transform_6, window_bounds = array<i64: 256, 128>}, {pipeline_mode = #tpu.pipeline_mode<synchronous>, transform_indices = @transform_7, window_bounds = array<i64: 1, 128>}, {transform_indices = @transform_8, window_bounds = array<i64: 1000, 128>}, {transform_indices = @transform_9, window_bounds = array<i64: 1000, 128>}, {transform_indices = @transform_10, window_bounds = array<i64: 1000, 128>}]} {
    %get3A = arith.constant 0 : index
    %get3A_0 = arith.constant 0 : index
    %get3A_1 = vector.load %arg2[%get3A, %get3A_0] : memref<1000x16xf32, #tpu.memory_space<vmem>>, vector<1000x1xf32>
    %get3A_2 = arith.constant 0 : index
    %get3A_3 = arith.constant 0 : index
    %get3A_4 = vector.load %arg4[%get3A_2, %get3A_3] : memref<1000x16xf32, #tpu.memory_space<vmem>>, vector<1000x1xf32>
    %get3A_5 = arith.constant 0 : index
    %get3A_6 = arith.constant 0 : index
    %get3A_7 = vector.load %arg1[%get3A_5, %get3A_6] : memref<1000x128xf32, #tpu.memory_space<vmem>>, vector<1000x128xf32>
    %add3A = arith.constant 1.000000e-16 : f32
    %add3A_8 = vector.broadcast %add3A : f32 to vector<1000x1xf32>
    %add3A_9 = arith.addf %get3A_1, %add3A_8 : vector<1000x1xf32>
    %div3A = vector.broadcast %add3A_9 : vector<1000x1xf32> to vector<1000x128xf32>
    %div3A_10 = arith.divf %get3A_7, %div3A : vector<1000x128xf32>
    %get3A_11 = arith.constant 0 : index
    %get3A_12 = arith.constant 0 : index
    %get3A_13 = vector.load %arg3[%get3A_11, %get3A_12] : memref<1000x128xf32, #tpu.memory_space<vmem>>, vector<1000x128xf32>
    %add3A_14 = arith.constant 1.000000e-16 : f32
    %add3A_15 = vector.broadcast %add3A_14 : f32 to vector<1000x1xf32>
    %add3A_16 = arith.addf %get3A_4, %add3A_15 : vector<1000x1xf32>
    %div3A_17 = vector.broadcast %add3A_16 : vector<1000x1xf32> to vector<1000x128xf32>
    %div3A_18 = arith.divf %get3A_13, %div3A_17 : vector<1000x128xf32>
    %swap3A = arith.constant 0 : index
    %swap3A_19 = arith.constant 0 : index
    %swap3A_20 = vector.load %arg10[%swap3A, %swap3A_19] : memref<1000x128xf32, #tpu.memory_space<vmem>>, vector<1000x128xf32>
    tpu.vector_store %arg10[%swap3A, %swap3A_19], %div3A_10 {strides = array<i32>} : memref<1000x128xf32, #tpu.memory_space<vmem>>, vector<1000x128xf32>,
    %swap3A_21 = arith.constant 0 : index
    %swap3A_22 = arith.constant 0 : index
    %swap3A_23 = vector.load %arg11[%swap3A_21, %swap3A_22] : memref<1000x128xf32, #tpu.memory_space<vmem>>, vector<1000x128xf32>
    tpu.vector_store %arg11[%swap3A_21, %swap3A_22], %div3A_18 {strides = array<i32>} : memref<1000x128xf32, #tpu.memory_space<vmem>>, vector<1000x128xf32>,
    %mul3A = arith.mulf %div3A_10, %div3A_18 : vector<1000x128xf32>
    %sub3A = arith.subf %div3A_10, %div3A_18 : vector<1000x128xf32>
    %abs3A = math.absf %sub3A : vector<1000x128xf32>
    %concatenate3A = tpu.concatenate %div3A_10, %div3A_18, %mul3A, %abs3A in 1 : vector<1000x128xf32>, vector<1000x128xf32>, vector<1000x128xf32>, vector<1000x128xf32> -> vector<1000x512xf32>
    %get3A_24 = arith.constant 0 : index
    %get3A_25 = arith.constant 0 : index
    %get3A_26 = vector.load %arg5[%get3A_24, %get3A_25] : memref<512x256xf32, #tpu.memory_space<vmem>>, vector<512x256xf32>
    %dot_general3A = arith.constant dense<0.000000e+00> : vector<1000x256xf32>
    %dot_general3A_27 = tpu.matmul %concatenate3A, %get3A_26, %dot_general3A {dimension_numbers = #tpu.dot_dimension_numbers<[1], [0], [0], [1], [0, 0, 1, 1], [], []>, transpose_lhs_hint = false} : vector<1000x512xf32>, vector<512x256xf32>, vector<1000x256xf32> -> vector<1000x256xf32>
    %get3A_28 = arith.constant 0 : index
    %get3A_29 = arith.constant 0 : index
    %get3A_30 = vector.load %arg6[%get3A_28, %get3A_29] : memref<1x256xf32, #tpu.memory_space<vmem>>, vector<1x256xf32>
    %add3A_31 = vector.broadcast %get3A_30 : vector<1x256xf32> to vector<1000x256xf32>
    %add3A_32 = arith.addf %dot_general3A_27, %add3A_31 : vector<1000x256xf32>
    %max3A = arith.constant 0.000000e+00 : f32
    %max3A_33 = vector.broadcast %max3A : f32 to vector<1000x256xf32>
    %max3A_34 = arith.maximumf %add3A_32, %max3A_33 : vector<1000x256xf32>
    %get3A_35 = arith.constant 0 : index
    %get3A_36 = arith.constant 0 : index
    %get3A_37 = vector.load %arg7[%get3A_35, %get3A_36] : memref<256x128xf32, #tpu.memory_space<vmem>>, vector<256x128xf32>
    %dot_general3A_38 = arith.constant dense<0.000000e+00> : vector<1000x128xf32>
    %dot_general3A_39 = tpu.matmul %max3A_34, %get3A_37, %dot_general3A_38 {dimension_numbers = #tpu.dot_dimension_numbers<[1], [0], [0], [1], [0, 0, 1, 1], [], []>, transpose_lhs_hint = false} : vector<1000x256xf32>, vector<256x128xf32>, vector<1000x128xf32> -> vector<1000x128xf32>
    %get3A_40 = arith.constant 0 : index
    %get3A_41 = arith.constant 0 : index
    %get3A_42 = vector.load %arg8[%get3A_40, %get3A_41] : memref<1x128xf32, #tpu.memory_space<vmem>>, vector<1x128xf32>
    %add3A_43 = vector.broadcast %get3A_42 : vector<1x128xf32> to vector<1000x128xf32>
    %add3A_44 = arith.addf %dot_general3A_39, %add3A_43 : vector<1000x128xf32>
    %swap3A_45 = arith.constant 0 : index
    %swap3A_46 = arith.constant 0 : index
    %swap3A_47 = vector.load %arg9[%swap3A_45, %swap3A_46] : memref<1000x128xf32, #tpu.memory_space<vmem>>, vector<1000x128xf32>
    tpu.vector_store %arg9[%swap3A_45, %swap3A_46], %add3A_44 {strides = array<i32>} : memref<1000x128xf32, #tpu.memory_space<vmem>>, vector<1000x128xf32>,
    return
  }
  func.func @transform_0(%arg0: i32) -> (i32, i32) {
    %c0_i32 = arith.constant 0 : i32
    %c0_i32_0 = arith.constant 0 : i32
    return %arg0, %c0_i32 : i32, i32
  }
  func.func @transform_1(%arg0: i32) -> (i32, i32) {
    %c0_i32 = arith.constant 0 : i32
    %c0_i32_0 = arith.constant 0 : i32
    return %arg0, %c0_i32 : i32, i32
  }
  func.func @transform_2(%arg0: i32) -> (i32, i32) {
    %c0_i32 = arith.constant 0 : i32
    %c0_i32_0 = arith.constant 0 : i32
    return %arg0, %c0_i32 : i32, i32
  }
  func.func @transform_3(%arg0: i32) -> (i32, i32) {
    %c0_i32 = arith.constant 0 : i32
    %c0_i32_0 = arith.constant 0 : i32
    return %arg0, %c0_i32 : i32, i32
  }
  func.func @transform_4(%arg0: i32) -> (i32, i32) {
    %c0_i32 = arith.constant 0 : i32
    %c0_i32_0 = arith.constant 0 : i32
    %c0_i32_1 = arith.constant 0 : i32
    return %c0_i32, %c0_i32_0 : i32, i32
  }
  func.func @transform_5(%arg0: i32) -> (i32, i32) {
    %c0_i32 = arith.constant 0 : i32
    %c0_i32_0 = arith.constant 0 : i32
    %c0_i32_1 = arith.constant 0 : i32
    return %c0_i32, %c0_i32_0 : i32, i32
  }
  func.func @transform_6(%arg0: i32) -> (i32, i32) {
    %c0_i32 = arith.constant 0 : i32
    %c0_i32_0 = arith.constant 0 : i32
    %c0_i32_1 = arith.constant 0 : i32
    return %c0_i32, %c0_i32_0 : i32, i32
  }
  func.func @transform_7(%arg0: i32) -> (i32, i32) {
    %c0_i32 = arith.constant 0 : i32
    %c0_i32_0 = arith.constant 0 : i32
    %c0_i32_1 = arith.constant 0 : i32
    return %c0_i32, %c0_i32_0 : i32, i32
  }
  func.func @transform_8(%arg0: i32) -> (i32, i32) {
    %c0_i32 = arith.constant 0 : i32
    %c0_i32_0 = arith.constant 0 : i32
    return %arg0, %c0_i32 : i32, i32
  }
  func.func @transform_9(%arg0: i32) -> (i32, i32) {
    %c0_i32 = arith.constant 0 : i32
    %c0_i32_0 = arith.constant 0 : i32
    return %arg0, %c0_i32 : i32, i32
  }
  func.func @transform_10(%arg0: i32) -> (i32, i32) {
    %c0_i32 = arith.constant 0 : i32
    %c0_i32_0 = arith.constant 0 : i32
    return %arg0, %c0_i32 : i32, i32
  }
}

</mosaic_0001>

<sc_bundles>
// kernel: kernel.12.cloned.1.call-start
scs
__scs_entry_jumppad:
0x0: {  	(pc) =	sbr.rel $0x88, $3  }
0x1: {  	(tag) =	ssettag $0x0;
	lr =	simm.s32 $0x1  }
0x2: {  	[smem:$0x3F95] =	sst lr;
	_ =	strace $0xD0000000  }
0x3: {  	_ = 	snop  }
0x4: {  	_ = 	snop  }
0x5: {  	_ = 	snop  }
0x6: {  	_ = 	snop  }
0x7: {  	_ = 	snop  }
__scs_overlays_trampoline_lowered:
0x8: {  	[smem:$0x3FA4] =	sst s0  }
0x9: {  	[smem:$0x3FA5] =	sst s1  }
0xa: {  	[smem:$0x3FA6] =	sst s2  }
0xb: {  	[smem:$0x3FA7] =	sst s3  }
0xc: {  	[smem:$0x3FA8] =	sst s4  }
0xd: {  	[smem:$0x3FA9] =	sst s5  }
0xe: {  	[smem:$0x3FAA] =	sst s6  }
0xf: {  	[smem:$0x3FAB] =	sst s7  }
0x10: {  	[smem:$0x3FAC] =	sst s8  }
0x11: {  	[smem:$0x3FAD] =	sst s9;
	s0 =	simm.s32 @!p0 $0x0  }
0x12: {  	s1 =	sld [smem:$0x3F93];
	s0 =	simm.s32 @p0 $0x1  }
0x13: {  	[smem:$0x3FAE] =	sst s0;
	s0 =	simm.s32 @!p1 $0x0  }
0x14: {  	s2 =	sld [smem:$0x3F92];
	s0 =	simm.s32 @p1 $0x1  }
0x15: {  	[smem:$0x3FAF] =	sst s0;
	s0 =	simm.s32 @!p2 $0x0  }
0x16: {  	s3 =	sld [smem:$0x3FDB];
	s0 =	simm.s32 @p2 $0x1  }
0x17: {  	s4 =	simm.s32 $0x1BF5;
	[smem:$0x3FB1] =	sst s0  }
0x18: {  	s0 =	sld [smem:$0x3F94];
	_ =	swait.ge [sflag:s4], $0x0  }
0x19: {  	s7 =	sld [smem:$0x3F95]  }
0x1a: {  	s8 =	sadd.s32 $0xFFFFE003, lr  }
0x1b: {  	s9 =	sadd.s32 $0xFFFFFEF7, lr;
	s5 =	simm.s32 $0xFFFFFFFF;
	p2 =	slt.u32 s8, $0xFFFFF086  }
0x1c: {  	p1 =	slt.u32 s9, $0xF7A;
	s5 =	simm.s32 @!p2 $0x0  }
0x1d: {  	s5 =	simm.s32 @p1 $0x1;
	p0 =	seq.s32 s7, s2  }
0x1e: {  	s7 =	smul.u32 @!p0 $0xF7A, s2;
	p2 =	seq.s32 @!p0 s5, $0x0  }
0x1f: {  	s9 =	smul.u32 $0xF7A, s1;
	s8 =	simm.s32 @!p0 $0x1BF5;
	p2 =	por !p2, p0  }
0x20: {  	[sflag:s8] =	ssyncset.s32 @!p0 $0xFFFFF086;
	s6 =	sadd.s32 @!p0 s3, s7;
	s7 =	simm.s32 @!p0 $0x108  }
0x21: {  	s3 =	sadd.s32 s3, s9;
	s6 =	sadd.s32 @!p0 $0x88, s6;
	s7 =	simm.s32 @p2 $0x1082  }
0x22: {  	[simem:s7], [sflag:s8] =	dma.local @!p0 [hbm:s6], $0xF7A  }
0x23: {  	s9 =	sor.u32 $0xD0000000, s2;
	s6 =	simm.s32 $0x108;
	_ =	swait.ge @!p0 [sflag:s8], $0x0  }
0x24: {  	s3 =	sadd.s32 $0x88, s3;
	s6 =	simm.s32 @!p1 $0x1082;
	[sflag:s4] =	ssyncset.s32 $0xFFFFF086  }
0x25: {  	[simem:s6], [sflag:s4] =	dma.local [hbm:s3], $0xF7A  }
0x26: {  	[smem:$0x3F95] =	sst s1;
	(tag) =	ssettag s2;
	_ =	strace s9  }
0x27: {  	s1 =	sld [smem:$0x3FA5]  }
0x28: {  	s2 =	sld [smem:$0x3FA6]  }
0x29: {  	s4 =	sld [smem:$0x3FA8]  }
0x2a: {  	p0 =	seq.s32 s5, $0x0;
	s5 =	sld [smem:$0x3FA9]  }
0x2b: {  	s6 =	sld [smem:$0x3FAA]  }
0x2c: {  	s7 =	sld [smem:$0x3FAB]  }
0x2d: {  	s3 =	simm.s32 $0x108;
	s8 =	sld [smem:$0x3FAC]  }
0x2e: {  	s3 =	simm.s32 @!p0 $0x1082;
	s9 =	sld [smem:$0x3FAD]  }
0x2f: {  	lr =	sadd.s32 s0, s3;
	s0 =	sld [smem:$0x3FA4]  }
0x30: {  	s3 =	sld [smem:$0x3FA7]  }
0x31: {  	[smem:$0x3FB0] =	sst s10  }
0x32: {  	s10 =	sld [smem:$0x3FAE];
	_ =	sdelay $0x3  }
0x33: {  	p0 =	seq.s32 s10, $0x1;
	s10 =	sld [smem:$0x3FB0];
	_ =	sdelay $0x3  }
0x34: {  	[smem:$0x3FB0] =	sst s10  }
0x35: {  	s10 =	sld [smem:$0x3FAF];
	_ =	sdelay $0x3  }
0x36: {  	p1 =	seq.s32 s10, $0x1;
	s10 =	sld [smem:$0x3FB0];
	_ =	sdelay $0x3  }
0x37: {  	[smem:$0x3FB0] =	sst s10  }
0x38: {  	s10 =	sld [smem:$0x3FB1]  }
0x39: {  	_ = 	snop;
	(pc) =	sbr.ind lr, $3  }
0x3a: {  	_ = 	snop  }
0x3b: {  	_ = 	snop  }
0x3c: {  	p2 =	seq.s32 s10, $0x1;
	s10 =	sld [smem:$0x3FB0]  }
0x3d: {  	_ =	shalt  }
0x3e: {  	_ =	shalt  }
0x3f: {  	_ =	shalt  }
0x40: {  	_ =	shalt  }
0x41: {  	_ =	shalt  }
0x42: {  	_ =	shalt  }
0x43: {  	_ =	shalt  }
0x44: {  	_ =	shalt  }
0x45: {  	_ =	shalt  }
0x46: {  	_ =	shalt  }
0x47: {  	_ =	shalt  }
0x48: {  	_ =	shalt  }
0x49: {  	_ =	shalt  }
0x4a: {  	_ =	shalt  }
0x4b: {  	_ =	shalt  }
0x4c: {  	_ =	shalt  }
0x4d: {  	_ =	shalt  }
0x4e: {  	_ =	shalt  }
0x4f: {  	_ =	shalt  }
0x50: {  	_ =	shalt  }
0x51: {  	_ =	shalt  }
0x52: {  	_ =	shalt  }
0x53: {  	_ =	shalt  }
0x54: {  	_ =	shalt  }
0x55: {  	_ =	shalt  }
0x56: {  	_ =	shalt  }
0x57: {  	_ =	shalt  }
0x58: {  	_ =	shalt  }
0x59: {  	_ =	shalt  }
0x5a: {  	_ =	shalt  }
0x5b: {  	_ =	shalt  }
0x5c: {  	_ =	shalt  }
0x5d: {  	_ =	shalt  }
0x5e: {  	_ =	shalt  }
0x5f: {  	_ =	shalt  }
0x60: {  	_ =	shalt  }
0x61: {  	_ =	shalt  }
0x62: {  	_ =	shalt  }
0x63: {  	_ =	shalt  }
0x64: {  	_ =	shalt  }
0x65: {  	_ =	shalt  }
0x66: {  	_ =	shalt  }
0x67: {  	_ =	shalt  }
0x68: {  	_ =	shalt  }
0x69: {  	_ =	shalt  }
0x6a: {  	_ =	shalt  }
0x6b: {  	_ =	shalt  }
0x6c: {  	_ =	shalt  }
0x6d: {  	_ =	shalt  }
0x6e: {  	_ =	shalt  }
0x6f: {  	_ =	shalt  }
0x70: {  	_ =	shalt  }
0x71: {  	_ =	shalt  }
0x72: {  	_ =	shalt  }
0x73: {  	_ =	shalt  }
0x74: {  	_ =	shalt  }
0x75: {  	_ =	shalt  }
0x76: {  	_ =	shalt  }
0x77: {  	_ =	shalt  }
0x78: {  	_ =	shalt  }
0x79: {  	_ =	shalt  }
0x7a: {  	_ =	shalt  }
0x7b: {  	_ =	shalt  }
0x7c: {  	_ =	shalt  }
0x7d: {  	_ =	shalt  }
0x7e: {  	_ =	shalt  }
0x7f: {  	_ =	shalt  }
0x80: {  	_ =	shalt  }
0x81: {  	_ =	shalt  }
0x82: {  	_ =	shalt  }
0x83: {  	_ =	shalt  }
0x84: {  	_ =	shalt  }
0x85: {  	_ =	shalt  }
0x86: {  	_ =	shalt  }
0x87: {  	_ =	shalt  }
.Lfunc_end0:
.L_simem_size_0:
called_computation_lowered:
.L_overlay_start_0:
0x88: {  	s2 =	sld [smem:$0x3FD9]  }
0x89: {  	s3 =	sld [smem:$0x3FFE];
	_ =	sdelay $0x1  }
0x8a: {  	s1 =	srdreg.scid  }
0x8b: {  	s0 =	sand.u32 $0x1, s1  }
0x8c: {  	s14 =	sshll.u32 s0, $0xA;
	s2 =	sadd.s32 s3, s2  }
0x8d: {  	s2 =	sadd.s32 s2, s14  }
0x8e: {  	[smem:$0x3FBC] =	sst s2  }
0x8f: {  	_ = 	snop  }
0x90: {  	s2 =	sld [smem:$0x3FD0];
	_ =	sdelay $0x2  }
0x91: {  	s15 =	simm.s32 $0xA;
	s4 =	simm.s32 $0x10  }
0x92: {  	[smem:s4], [sflag:s15] =	dma.local [hbm:s2], $0x1  }
0x93: {  	_ =	swait.eq [sflag:s15], $0x1  }
0x94: {  	[sflag:s15] =	ssyncset.done $0x0  }
0x95: {  	[sflag:s15] =	ssyncadd.s32 $0xFFFFFFFF  }
0x96: {  	s16 =	sld [smem:$0x12];
	(tm) =	ssettm $0x1  }
0x97: {  	s17 =	sld [smem:$0x3FFB];
	_ =	sdelay $0x3  }
0x98: {  	_ =	strace s17  }
0x99: {  	s3 =	sld [smem:$0x3FFC];
	_ =	sdelay $0x3  }
0x9a: {  	_ =	strace s3  }
0x9b: {  	s3 =	sld [smem:$0x3FFD];
	_ =	sdelay $0x3  }
0x9c: {  	_ =	strace s3  }
0x9d: {  	_ =	strace $0x8FFFFFFF  }
0x9e: {  	s18 =	sld [smem:$0x3FDB];
	_ =	sdelay $0x1  }
0x9f: {  	s19 =	simm.s32 $_scs_section_size  }
0xa0: {  	s5 =	simm.s32 $_size__tile_overlayer_lowered;
	s6 =	simm.s32 $_tile_overlayer_lowered  }
0xa1: {  	s22 =	simm.s32 $0x1BFF;
	s21 =	sshll.u32 s6, $0x1;
	s3 =	sadd.s32 s19, s18  }
0xa2: {  	s7 =	simm.s32 $0x0;
	s20 =	sshll.u32 s5, $0x1;
	s5 =	sadd.s32 s21, s3  }
0xa3: {  	[timem:s7], [sflag:s22] =	dma.local [hbm:s5], s20  }
0xa4: {  	_ =	swait.ge [sflag:s22], s20  }
0xa5: {  	s4 =	ssub.s32 $0x0, s20;
	[sflag:s22] =	ssyncset.done $0x0  }
0xa6: {  	[sflag:s22] =	ssyncadd.s32 s4;
	_ =	sdelay $0x1  }
0xa7: {  	s23 =	simm.s32 $0x1B8B  }
0xa8: {  	_ =	swait.ge [sflag:s23], $0x1  }
0xa9: {  	[sflag:s23] =	ssyncset.done $0x0  }
0xaa: {  	s25 =	simm.s32 $0x1B8E;
	s24 =	sld [smem:$0x3FFE];
	[sflag:s23] =	ssyncadd.s32 $0xFFFFFFFF  }
0xab: {  	s26 =	simm.s32 $execute0_lowered;
	[smem:$0x3FD2] =	sst s25  }
0xac: {  	s5 =	sshll.u32 s26, $0x1;
	_ =	strace $0x80000046;
	[dreg:$0x1] =	wrdreg $0xFFFFFFFF  }
0xad: {  	s28 =	simm.s32 $_size_execute0_lowered;
	s3 =	sadd.s32 s3, s5;
	[dreg:$0x0] =	wrdreg $0x0  }
0xae: {  	s5 =	sshll.u32 s28, $0x1;
	[dreg:$0x2] =	wrdreg s3  }
0xaf: {  	[dreg:$0x3] =	wrdreg s5  }
0xb0: {  	[dreg:$0x4] =	wrdreg $0xC0  }
0xb1: {  	_ =	task [dreg:s7], $0x5FFFF  }
0xb2: {  	[dreg:$0x1] =	wrdreg $0xFFFFFFFF  }
0xb3: {  	[dreg:$0x0] =	wrdreg $0x60  }
0xb4: {  	[dreg:$0x2] =	wrdreg s24  }
0xb5: {  	[dreg:$0x3] =	wrdreg s16  }
0xb6: {  	[dreg:$0x4] =	wrdreg $0x9  }
0xb7: {  	_ =	task.clear_ibuf [dreg:s7], $0x5FFFF;
	_ =	strace $0x90000046  }
0xb8: {  	s29 =	simm.s32 $0x9;
	_ =	strace $0x80000048  }
0xb9: {  	_ =	swait.ge [sflag:s29], $0x1  }
0xba: {  	[sflag:s29] =	ssyncadd.s32 $0xFFFFFFFF  }
0xbb: {  	_ =	strace $0x90000048  }
0xbc: {  	_ =	sfence  }
0xbd: {  	s30 =	sld [smem:$0x0];
	_ =	sdelay $0x2  }
0xbe: {  	s31 =	sshll.u32 s1, $0xD;
	s1 =	sshrl.u32 s1, $0x2  }
0xbf: {  	s3 =	sand.u32 $0x4000, s31;
	s1 =	sadd.s32 s1, s30  }
0xc0: {  	s0 =	sor.u32 s3, s0;
	s1 =	sshll.u32 s1, $0x11  }
0xc1: {  	s0 =	sor.u32 s1, s0  }
0xc2: {  	s0 =	sadd.s32 $0x8F2B, s0  }
0xc3: {  	[sflag:s0] =	ssyncadd.remote.s32 $0x1  }
0xc4: {  	_ =	sfence.sel $0xFFFF  }
0xc5: {  	[dreg:$0x0] =	wrdreg $0xFFFFFFFF;
	(pc) =	sbr.abs _section_cstart, $3  }
0xc6: {  	[dreg:$0x1] =	wrdreg $0xFFFFFFFF  }
0xc7: {  	_ =	task.clear_ibuf [dreg:s7], $0x2FFFF;
	_ =	strace $0x9FFFFFFF  }
0xc8: {  	(tm) =	ssettm $0x7FFFFFFF  }
0xc9: {  	_ =	shalt  }
tec
execute0_lowered:
.L_overlay_start_1:
0x0: {  	(tag) =	ssettag $0x1  }
0x1: {  	s3 =	rddreg [dreg:$0x0]  }
0x2: {  	s0 =	srdreg.scid;
	s4 =	rddreg [dreg:$0x1];
	s1 =	simm.s32 $0x0  }
0x3: {  	s11 =	simm.s32 $0x80;
	s12 =	simm.s32 $0x10080;
	s13 =	simm.s32 $0x4000  }
0x4: {  	s14 =	simm.s32 $0x10100;
	s15 =	simm.s32 $0x8000;
	s16 =	simm.s32 $0x10180  }
0x5: {  	s17 =	simm.s32 $0xC000;
	s18 =	simm.s32 $0x1;
	s5 =	sand.u32 $0x1, s0  }
0x6: {  	s19 =	simm.s32 $0x0;
	s0 =	rddreg [dreg:$0x2];
	s2 =	smul.u32 $0x28000, s5  }
0x7: {  	[smem:$0x7FF] =	sst s1;
	s7 =	smul.u32 $0x4E2000, s5;
	s8 =	ssub.s32 $0x2, s5  }
0x8: {  	_ =	strace $0x80000047;
	s5 =	smul.u32 $0x9C40, s5;
	s9 =	sshrl.u32 s8, $0x1  }
0x9: {  	s6 =	sadd.s32 s2, s3;
	s2 =	stileid.u32;
	s7 =	sadd.s32 s7, s3  }
0xa: {  	s8 =	ssub.s32 s8, s9;
	s30 =	sadd.s32 s4, s5;
	s9 =	simm.s32 $0x10000  }
0xb: {  	s10 =	ssub.s32 $0x280, s2;
	s4 =	sadd.s32 $0x4000, s6;
	s31 =	sshll.u32 s2, $0x6  }
0xc: {  	s5 =	sadd.s32 $0x54000, s7;
	s6 =	smax.u32 s8, $0x1;
	s8 =	sshll.u32 s2, $0xD  }
0xd: {  	s3 =	sshrl.u32 s10, $0x4;
	s7 =	sadd.s32 s31, s30;
	s10 =	simm.s32 $0x2  }
.LBB2_1:
0xe: {  	[tilespmem:s9], [sflag:$0x2] =	stream.linear.gather [hbm4b:s7+s1], $0x200, $0x38;
	[tilespmem:$0x10200] =	vst v63  }
0xf: {  	_ =	swait.ge [sflag:s10], $0x200  }
0x10: {  	[sflag:s10] =	ssyncset.done $0x0  }
0x11: {  	[sflag:s10] =	ssyncadd.s32 $0xFFFFFE00  }
0x12: {  	[tilespmem:s1], [sflag:$0x1] =	stream.indirect.gather [hbm4b:s4+s11], $0x80, s9, s11, $0xb8;
	[tilespmem:$0x10200] =	vst v63  }
0x13: {  	_ = 	snop  }
0x14: {  	[tilespmem:s13], [sflag:$0x1] =	stream.indirect.gather [hbm4b:s4+s11], $0x80, s12, s11, $0xb8;
	[tilespmem:$0x10200] =	vst v63  }
0x15: {  	_ = 	snop  }
0x16: {  	[tilespmem:s15], [sflag:$0x1] =	stream.indirect.gather [hbm4b:s4+s11], $0x80, s14, s11, $0xb8;
	[tilespmem:$0x10200] =	vst v63  }
0x17: {  	_ = 	snop  }
0x18: {  	[tilespmem:s17], [sflag:$0x1] =	stream.indirect.gather [hbm4b:s4+s11], $0x80, s16, s11, $0xb8;
	[tilespmem:$0x10200] =	vst v63  }
0x19: {  	_ =	swait.ge [sflag:s18], $0x4000  }
0x1a: {  	[sflag:s18] =	ssyncset.done $0x0  }
0x1b: {  	[sflag:s18] =	ssyncadd.s32 $0xFFFFC000  }
0x1c: {  	_ =	swait.ge [sflag:s18], $0x4000  }
0x1d: {  	[sflag:s18] =	ssyncset.done $0x0  }
0x1e: {  	[sflag:s18] =	ssyncadd.s32 $0xFFFFC000  }
0x1f: {  	_ =	swait.ge [sflag:s18], $0x4000  }
0x20: {  	[sflag:s18] =	ssyncset.done $0x0  }
0x21: {  	[sflag:s18] =	ssyncadd.s32 $0xFFFFC000  }
0x22: {  	_ =	swait.ge [sflag:s18], $0x4000  }
0x23: {  	[sflag:s18] =	ssyncset.done $0x0  }
0x24: {  	s20 =	sadd.s32 s8, s5;
	[sflag:s18] =	ssyncadd.s32 $0xFFFFC000  }
0x25: {  	[hbm4b:s20+s1] =	stream.linear.scatter [tilespmem:s1], [sflag:$0x1], $0x4000, $0x38;
	[tilespmem:$0x10200] =	vst v63  }
0x26: {  	s21 =	sadd.s32 $0x800, s20  }
0x27: {  	[hbm4b:s21+s1] =	stream.linear.scatter [tilespmem:s13], [sflag:$0x1], $0x4000, $0x38;
	[tilespmem:$0x10200] =	vst v63  }
0x28: {  	s31 =	sadd.s32 $0x1000, s20  }
0x29: {  	[hbm4b:s31+s1] =	stream.linear.scatter [tilespmem:s15], [sflag:$0x1], $0x4000, $0x38;
	[tilespmem:$0x10200] =	vst v63  }
0x2a: {  	s20 =	sadd.s32 $0x1800, s20  }
0x2b: {  	[hbm4b:s20+s1] =	stream.linear.scatter [tilespmem:s17], [sflag:$0x1], $0x4000, $0x38;
	[tilespmem:$0x10200] =	vst v63  }
0x2c: {  	_ =	swait.ge [sflag:s18], $0x4000  }
0x2d: {  	[sflag:s18] =	ssyncset.done $0x0  }
0x2e: {  	[sflag:s18] =	ssyncadd.s32 $0xFFFFC000  }
0x2f: {  	_ =	swait.ge [sflag:s18], $0x4000  }
0x30: {  	[sflag:s18] =	ssyncset.done $0x0  }
0x31: {  	p0 =	sne.s32 s3, $0x1;
	[sflag:s18] =	ssyncadd.s32 $0xFFFFC000  }
.Ltmp0:
0x32: {  	_ =	swait.ge [sflag:s18], $0x4000;
	(pc) =	sbr.rel @!p0 .LBB2_3-.Ltmp0, $4  }
0x33: {  	[sflag:s18] =	ssyncset.done $0x0  }
0x34: {  	[sflag:s18] =	ssyncadd.s32 $0xFFFFC000  }
0x35: {  	s22 =	smov.u32 s8;
	_ =	swait.ge [sflag:s18], $0x4000  }
0x36: {  	s21 =	smov.u32 s7;
	s20 =	sadd.s32 $0xFFFFFFFF, s3;
	[sflag:s18] =	ssyncset.done $0x0  }
.LBB2_2:
0x37: {  	[sflag:s18] =	ssyncadd.s32 $0xFFFFC000;
	s21 =	sadd.s32 $0x400, s21;
	s22 =	sadd.s32 $0x20000, s22  }
0x38: {  	[tilespmem:s9], [sflag:$0x2] =	stream.linear.gather [hbm4b:s21+s1], $0x200, $0x38;
	[tilespmem:$0x10200] =	vst v63  }
0x39: {  	p0 =	sne.s32 s20, $0x1;
	s20 =	sadd.s32 $0xFFFFFFFF, s20;
	_ =	swait.ge [sflag:s10], $0x200  }
0x3a: {  	[sflag:s10] =	ssyncset.done $0x0  }
0x3b: {  	[sflag:s10] =	ssyncadd.s32 $0xFFFFFE00  }
0x3c: {  	[tilespmem:s1], [sflag:$0x1] =	stream.indirect.gather [hbm4b:s4+s11], $0x80, s9, s11, $0xb8;
	[tilespmem:$0x10200] =	vst v63  }
0x3d: {  	_ = 	snop  }
0x3e: {  	[tilespmem:s13], [sflag:$0x1] =	stream.indirect.gather [hbm4b:s4+s11], $0x80, s12, s11, $0xb8;
	[tilespmem:$0x10200] =	vst v63  }
0x3f: {  	_ = 	snop  }
0x40: {  	[tilespmem:s15], [sflag:$0x1] =	stream.indirect.gather [hbm4b:s4+s11], $0x80, s14, s11, $0xb8;
	[tilespmem:$0x10200] =	vst v63  }
0x41: {  	_ = 	snop  }
0x42: {  	[tilespmem:s17], [sflag:$0x1] =	stream.indirect.gather [hbm4b:s4+s11], $0x80, s16, s11, $0xb8;
	[tilespmem:$0x10200] =	vst v63  }
0x43: {  	_ =	swait.ge [sflag:s18], $0x4000  }
0x44: {  	[sflag:s18] =	ssyncset.done $0x0  }
0x45: {  	[sflag:s18] =	ssyncadd.s32 $0xFFFFC000  }
0x46: {  	_ =	swait.ge [sflag:s18], $0x4000  }
0x47: {  	[sflag:s18] =	ssyncset.done $0x0  }
0x48: {  	[sflag:s18] =	ssyncadd.s32 $0xFFFFC000  }
0x49: {  	_ =	swait.ge [sflag:s18], $0x4000  }
0x4a: {  	[sflag:s18] =	ssyncset.done $0x0  }
0x4b: {  	[sflag:s18] =	ssyncadd.s32 $0xFFFFC000  }
0x4c: {  	_ =	swait.ge [sflag:s18], $0x4000  }
0x4d: {  	[sflag:s18] =	ssyncset.done $0x0  }
0x4e: {  	s23 =	sadd.s32 s22, s5;
	[sflag:s18] =	ssyncadd.s32 $0xFFFFC000  }
0x4f: {  	[hbm4b:s23+s1] =	stream.linear.scatter [tilespmem:s1], [sflag:$0x1], $0x4000, $0x38;
	[tilespmem:$0x10200] =	vst v63  }
0x50: {  	s24 =	sadd.s32 $0x800, s23  }
0x51: {  	[hbm4b:s24+s1] =	stream.linear.scatter [tilespmem:s13], [sflag:$0x1], $0x4000, $0x38;
	[tilespmem:$0x10200] =	vst v63  }
0x52: {  	s24 =	sadd.s32 $0x1000, s23  }
0x53: {  	[hbm4b:s24+s1] =	stream.linear.scatter [tilespmem:s15], [sflag:$0x1], $0x4000, $0x38;
	[tilespmem:$0x10200] =	vst v63  }
0x54: {  	s23 =	sadd.s32 $0x1800, s23  }
0x55: {  	[hbm4b:s23+s1] =	stream.linear.scatter [tilespmem:s17], [sflag:$0x1], $0x4000, $0x38;
	[tilespmem:$0x10200] =	vst v63  }
0x56: {  	_ =	swait.ge [sflag:s18], $0x4000  }
0x57: {  	[sflag:s18] =	ssyncset.done $0x0  }
0x58: {  	[sflag:s18] =	ssyncadd.s32 $0xFFFFC000  }
0x59: {  	_ =	swait.ge [sflag:s18], $0x4000  }
0x5a: {  	[sflag:s18] =	ssyncset.done $0x0  }
0x5b: {  	[sflag:s18] =	ssyncadd.s32 $0xFFFFC000  }
.Ltmp1:
0x5c: {  	_ =	swait.ge [sflag:s18], $0x4000;
	(pc) =	sbr.rel @p0 .LBB2_2-.Ltmp1, $4  }
0x5d: {  	[sflag:s18] =	ssyncset.done $0x0  }
0x5e: {  	[sflag:s18] =	ssyncadd.s32 $0xFFFFC000  }
0x5f: {  	_ =	swait.ge [sflag:s18], $0x4000  }
0x60: {  	[sflag:s18] =	ssyncset.done $0x0  }
.LBB2_3:
0x61: {  	s19 =	sadd.s32 $0x1, s19  }
0x62: {  	p0 =	sne.s32 s19, s6  }
.Ltmp2:
0x63: {  	_ = 	snop;
	(pc) =	sbr.rel @p0 .LBB2_1-.Ltmp2, $2  }
0x64: {  	_ =	sdelay $0x2  }
0x65: {  	[sflag:s18] =	ssyncadd.s32 $0xFFFFC000  }
0x66: {  	_ =	sfence.sel $0x180000  }
0x67: {  	[bflag:$0x0] =	sbarrier.arrive $0xFFFF  }
0x68: {  	p0 =	sne.s32 s2, $0x0;
	_ =	strace $0x90000047  }
0x69: {  	s0 =	sadd.s32 @!p0 $0x100000, s0;
	[bflag:$0x2] =	sbarrier.arrive $0xFFFF  }
0x6a: {  	[sflag:s0] =	ssyncadd.tile.s32 @!p0 $0x1;
	_ =	shalt  }
.Lfunc_end2:
_tile_overlayer_lowered:
.L_overlay_start_2:
0x6b: {  	(tag) =	ssettag $0x2  }
0x6c: {  	s0 =	rddreg [dreg:$0x0];
	s2 =	stileid.u32  }
0x6d: {  	s1 =	rddreg [dreg:$0x1];
	p0 =	sne.s32 s2, $0x0  }
0x6e: {  	s3 =	rddreg [dreg:$0x2];
	[bflag:$0x3] =	sbarrier.arrive $0xFFFF;
	s2 =	simm.s32 @!p0 $0x1C02  }
0x6f: {  	[timem:s3], [sflag:s2] =	dma.local @!p0 [hbm:s0], s1  }
0x70: {  	s0 =	simm.s32 @!p0 $0x2  }
0x71: {  	_ =	swait.ge @!p0 [sflag:s0], s1  }
0x72: {  	s1 =	ssub.s32 @!p0 $0x0, s1;
	[sflag:s0] =	ssyncset.done @!p0 $0x0  }
0x73: {  	[sflag:s0] =	ssyncadd.s32 @!p0 s1  }
0x74: {  	[bflag:$0x3] =	sbarrier.arrive $0xFFFF  }
0x75: {  	_ =	shalt  }

</sc_bundles>
